<compile_context>
chip_gen: v7x
topology: tpu7x:2x2x1
jax: 0.10.2.dev20260603
libtpu: 0.0.44.dev20260713+nightly
codegen_flags: <defaults>
</compile_context>

<pallas_src>
import functools

import jax
import jax.numpy as jnp
from jax import lax
from jax.experimental import pallas as pl
from jax.experimental.pallas import tpu as pltpu
from jax.experimental.pallas import tpu_sc as plsc

N = 10000
E = 160000
F_IN = 256
H1 = 64
H2 = 32

NC = 2
NS = 16
NW = NC * NS

NPAD = 10112
RPS = NPAD // NS
K = 128
EW = 5120
CH = EW // K
EPAD = NW * EW

_MESH = dict(core_axis_name="c", subcore_axis_name="s")


DW = 16

@functools.partial(
    pl.kernel,
    out_type=jax.ShapeDtypeStruct((NC, NPAD, DW), jnp.float32),
    mesh=plsc.VectorSubcoreMesh(**_MESH),
    compiler_params=pltpu.CompilerParams(use_tc_tiling_on_sc=False),
    scratch_types=[
        pltpu.VMEM((CH, K), jnp.int32),
        pltpu.VMEM((K, DW), jnp.float32),
        pltpu.VMEM((RPS, DW), jnp.float32),
        pltpu.VMEM_SHARED((NPAD, DW), jnp.float32),
        pltpu.SemaphoreType.DMA,
    ],
)
def _deg_kernel(dst_hbm, out_hbm, dst_v, ones_v, zbuf_v, acc_sh, ssem):
    c = lax.axis_index("c")
    s = lax.axis_index("s")
    wid = c * NS + s
    row0 = s * RPS
    one16 = jnp.ones((16,), jnp.float32)
    zero16 = jnp.zeros((16,), jnp.float32)

    def fill(i, carry):
        ones_v[i] = one16
        return carry

    lax.fori_loop(0, K, fill, 0)

    def zfill(i, carry):
        zbuf_v[i] = zero16
        return carry

    lax.fori_loop(0, RPS, zfill, 0)
    pltpu.sync_copy(zbuf_v, acc_sh.at[pl.ds(row0, RPS)])
    pltpu.sync_copy(dst_hbm.at[wid], dst_v)
    plsc.subcore_barrier()

    def chunk(j, carry):
        pltpu.async_copy(ones_v, acc_sh.at[dst_v.at[j]], ssem, add=True)
        return carry

    lax.fori_loop(0, CH, chunk, 0)

    def drain(j, carry):
        pltpu.make_async_copy(ones_v, acc_sh.at[pl.ds(0, K)], ssem).wait()
        return carry

    lax.fori_loop(0, CH, drain, 0)
    plsc.subcore_barrier()
    pltpu.sync_copy(acc_sh.at[pl.ds(row0, RPS)], out_hbm.at[c, pl.ds(row0, RPS)])


def _make_prop(F):
    @functools.partial(
        pl.kernel,
        out_type=jax.ShapeDtypeStruct((NC, NPAD, F), jnp.float32),
        mesh=plsc.VectorSubcoreMesh(**_MESH),
        compiler_params=pltpu.CompilerParams(use_tc_tiling_on_sc=False),
        scratch_types=[
            pltpu.VMEM((CH, K), jnp.int32),
            pltpu.VMEM((CH, K), jnp.int32),
            pltpu.VMEM((K, F), jnp.float32),
            pltpu.VMEM((K, F), jnp.float32),
            pltpu.VMEM((K, F), jnp.float32),
            pltpu.VMEM((K, F), jnp.float32),
            pltpu.VMEM_SHARED((NPAD, F), jnp.float32),
            pltpu.SemaphoreType.DMA,
            pltpu.SemaphoreType.DMA,
            pltpu.SemaphoreType.DMA,
            pltpu.SemaphoreType.DMA,
            pltpu.SemaphoreType.DMA,
            pltpu.SemaphoreType.DMA,
            pltpu.SemaphoreType.DMA,
            pltpu.SemaphoreType.DMA,
        ],
    )
    def _prop(h_hbm, src_hbm, dst_hbm, out_hbm, src_v, dst_v,
              rows0_v, rows1_v, rows2_v, rows3_v, acc_sh,
              g0, g1, g2, g3, s0, s1, s2, s3):
        c = lax.axis_index("c")
        s = lax.axis_index("s")
        wid = c * NS + s
        row0 = s * RPS
        rows = [rows0_v, rows1_v, rows2_v, rows3_v]
        gsem = [g0, g1, g2, g3]
        ssem = [s0, s1, s2, s3]
        pltpu.sync_copy(h_hbm.at[pl.ds(row0, RPS)], acc_sh.at[pl.ds(row0, RPS)])
        pltpu.sync_copy(src_hbm.at[wid], src_v)
        pltpu.sync_copy(dst_hbm.at[wid], dst_v)
        plsc.subcore_barrier()

        pltpu.async_copy(h_hbm.at[src_v.at[0]], rows[0], gsem[0])
        pltpu.async_copy(h_hbm.at[src_v.at[1]], rows[1], gsem[1])

        def quad(t, carry):
            j = t * 4
            for b in range(4):
                pltpu.make_async_copy(h_hbm.at[pl.ds(0, K)], rows[b], gsem[b]).wait()
                pltpu.async_copy(rows[b], acc_sh.at[dst_v.at[j + b]], ssem[b],
                                 add=True)
                bn = (b + 2) % 4

                @pl.when(j + b + 2 < CH)
                def _():
                    @pl.when(j + b >= 2)
                    def _():
                        pltpu.make_async_copy(
                            rows[bn], acc_sh.at[pl.ds(0, K)], ssem[bn]).wait()

                    pltpu.async_copy(h_hbm.at[src_v.at[j + b + 2]], rows[bn],
                                     gsem[bn])

            return carry

        lax.fori_loop(0, CH // 4, quad, 0)
        for b in range(4):
            pltpu.make_async_copy(rows[b], acc_sh.at[pl.ds(0, K)], ssem[b]).wait()
        plsc.subcore_barrier()
        pltpu.sync_copy(acc_sh.at[pl.ds(row0, RPS)], out_hbm.at[c, pl.ds(row0, RPS)])

    return _prop


_prop64 = _make_prop(H1)
_prop32 = _make_prop(H2)


def _b1_body(x_ref, w1_ref, xw_ref):
    h = jnp.dot(x_ref[...], w1_ref[...], preferred_element_type=jnp.float32)
    xw_ref[0:N, :] = h
    xw_ref[N:NPAD, :] = jnp.zeros((NPAD - N, H1), jnp.float32)


_b1_call = pl.pallas_call(
    _b1_body,
    out_shape=jax.ShapeDtypeStruct((NPAD, H1), jnp.float32),
)


def _b2_body(hist_ref, xw_ref, h1_ref, dinv_ref):
    deg = hist_ref[0, :, 0:1] + hist_ref[1, :, 0:1] + 1.0
    di = lax.rsqrt(jnp.maximum(deg, 1e-12))
    h1_ref[...] = xw_ref[...] * di
    dinv_ref[...] = di


_b2_call = pl.pallas_call(
    _b2_body,
    out_shape=[
        jax.ShapeDtypeStruct((NPAD, H1), jnp.float32),
        jax.ShapeDtypeStruct((NPAD, 1), jnp.float32),
    ],
)


def _d_body(p_ref, h1_ref, dinv_ref, b1_ref, w2_ref, h2_ref):
    di = dinv_ref[...]
    ssum = p_ref[0] + p_ref[1] - h1_ref[...]
    a1 = jnp.maximum(ssum * di + b1_ref[...], 0.0)
    h2_ref[...] = jnp.dot(a1, w2_ref[...], preferred_element_type=jnp.float32) * di


_d_call = pl.pallas_call(
    _d_body,
    out_shape=jax.ShapeDtypeStruct((NPAD, H2), jnp.float32),
)


def _f_body(q_ref, h2_ref, dinv_ref, b2_ref, wfc_ref, bfc_ref, out_ref):
    di = dinv_ref[0:N]
    ssum = q_ref[0, 0:N] + q_ref[1, 0:N] - h2_ref[0:N]
    a2 = jnp.maximum(ssum * di + b2_ref[...], 0.0)
    out_ref[...] = jnp.dot(a2, wfc_ref[...], preferred_element_type=jnp.float32) + bfc_ref[...]


_f_call = pl.pallas_call(
    _f_body,
    out_shape=jax.ShapeDtypeStruct((N, 1), jnp.float32),
)


def kernel(x, edge_index, W1, b1, W2, b2, Wfc, bfc):
    src = edge_index[0]
    dst = edge_index[1]
    pad = N + jnp.arange(EPAD - E, dtype=jnp.int32) % (NPAD - N)
    srcp = jnp.concatenate([src, pad]).reshape(NW, CH, K)
    dstp = jnp.concatenate([dst, pad]).reshape(NW, CH, K)

    hist = _deg_kernel(dstp)
    xw = _b1_call(x, W1)
    h1p, dinv = _b2_call(hist, xw)
    p = _prop64(h1p, srcp, dstp)
    h2p = _d_call(p, h1p, dinv, b1.reshape(1, H1), W2)
    q = _prop32(h2p, srcp, dstp)
    outp = _f_call(q, h2p, dinv, b2.reshape(1, H2), Wfc, bfc.reshape(1, 1))
    return outp[:, 0]

# --- scband reference (transcript-rebuilt; emitter-appended) ---
"""Pipeline reference for scband-node-gnnmodel-33603824123929 (READ-ONLY COPY).

The authoritative reference and input builder live on the scoring server;
editing this copy changes nothing except your own understanding.
"""

import jax, jax.numpy as jnp
import numpy as np

N = 10000
E = 160000
F_IN = 256
H1 = 64
H2 = 32


def gcn_conv(x, edge_index, W, b):
    # Faithful GCNConv: add self-loops, symmetric normalization D^-1/2 (A+I) D^-1/2 X W + b
    n = x.shape[0]
    src = edge_index[0]
    dst = edge_index[1]
    loop = jnp.arange(n, dtype=src.dtype)
    src = jnp.concatenate([src, loop])
    dst = jnp.concatenate([dst, loop])
    deg = jnp.zeros((n,), x.dtype).at[dst].add(1.0)
    dinv = jax.lax.rsqrt(jnp.maximum(deg, 1e-12))
    norm = dinv[src] * dinv[dst]
    h = x @ W
    msg = h[src] * norm[:, None]
    out = jnp.zeros((n, W.shape[1]), x.dtype).at[dst].add(msg)
    return out + b


def setup_inputs(seed: int = 0) -> dict:
    key = jax.random.key(seed)
    ks = jax.random.split(key, 8)
    x = jax.random.normal(ks[0], (N, F_IN), dtype=jnp.float32)
    edge_index = jax.random.randint(ks[1], (2, E), 0, N, dtype=jnp.int32)
    W1 = jax.random.normal(ks[2], (F_IN, H1), dtype=jnp.float32) * (1.0 / np.sqrt(F_IN))
    b1 = jnp.zeros((H1,), dtype=jnp.float32)
    W2 = jax.random.normal(ks[3], (H1, H2), dtype=jnp.float32) * (1.0 / np.sqrt(H1))
    b2 = jnp.zeros((H2,), dtype=jnp.float32)
    Wfc = jax.random.normal(ks[4], (H2, 1), dtype=jnp.float32) * (1.0 / np.sqrt(H2))
    bfc = jnp.zeros((1,), dtype=jnp.float32)
    return {"x": x, "edge_index": edge_index, "W1": W1, "b1": b1, "W2": W2, "b2": b2, "Wfc": Wfc, "bfc": bfc}


def reference(x, edge_index, W1, b1, W2, b2, Wfc, bfc):
    h = jax.nn.relu(gcn_conv(x, edge_index, W1, b1))
    h = jax.nn.relu(gcn_conv(h, edge_index, W2, b2))
    out = h @ Wfc + bfc
    return out.squeeze(-1)

if __name__ == "__main__":
    import jax
    _d = setup_inputs()
    print(jax.jit(kernel)(*tuple(_d.values())))

</pallas_src>

<mosaic_0001>
#map = affine_map<(d0, d1) -> (0, 0)>
#map1 = affine_map<(d0, d1) -> (0, 0, 0)>
module attributes {stable_mosaic.version = 14 : i64} {
  func.func @_prop(%arg0: i32, %arg1: i32, %arg2: memref<10112x64xf32, #tpu.memory_space<hbm>>, %arg3: memref<32x40x128xi32, #tpu.memory_space<hbm>>, %arg4: memref<32x40x128xi32, #tpu.memory_space<hbm>>, %arg5: memref<2x10112x64xf32, #tpu.memory_space<hbm>>, %arg6: memref<40x128xi32, #tpu.memory_space<vmem>>, %arg7: memref<40x128xi32, #tpu.memory_space<vmem>>, %arg8: memref<128x64xf32, #tpu.memory_space<vmem>>, %arg9: memref<128x64xf32, #tpu.memory_space<vmem>>, %arg10: memref<128x64xf32, #tpu.memory_space<vmem>>, %arg11: memref<128x64xf32, #tpu.memory_space<vmem>>, %arg12: memref<10112x64xf32, #tpu.memory_space<vmem_shared>>, %arg13: memref<!tpu.dma_semaphore, #tpu.memory_space<semaphore_mem>>, %arg14: memref<!tpu.dma_semaphore, #tpu.memory_space<semaphore_mem>>, %arg15: memref<!tpu.dma_semaphore, #tpu.memory_space<semaphore_mem>>, %arg16: memref<!tpu.dma_semaphore, #tpu.memory_space<semaphore_mem>>, %arg17: memref<!tpu.dma_semaphore, #tpu.memory_space<semaphore_mem>>, %arg18: memref<!tpu.dma_semaphore, #tpu.memory_space<semaphore_mem>>, %arg19: memref<!tpu.dma_semaphore, #tpu.memory_space<semaphore_mem>>, %arg20: memref<!tpu.dma_semaphore, #tpu.memory_space<semaphore_mem>>) attributes {dimension_semantics = [#tpu.dimension_semantics<core_parallel>, #tpu.dimension_semantics<subcore_parallel>], iteration_bounds = array<i64: 2, 16>, scalar_prefetch = 0 : i64, scratch_operands = 15 : i64, tpu.core_type = #tpu.core_type<sc_vector_subcore>, window_params = [{transform_indices = #map}, {transform_indices = #map1}, {transform_indices = #map1}, {transform_indices = #map1}]} {
    %mul3A = arith.constant 16 : i32
    %mul3A_0 = arith.muli %arg0, %mul3A : i32
    %add3A = arith.addi %mul3A_0, %arg1 : i32
    %mul3A_1 = arith.constant 632 : i32
    %mul3A_2 = arith.muli %arg1, %mul3A_1 : i32
    "tpu.region"() ({
      %run_scoped3A = tpu.sem_alloc : memref<!tpu.dma_semaphore, #tpu.memory_space<semaphore_mem>>
      %dma_start3A_45 = arith.constant 0 : i32
      %dma_start3A_46 = tpu.memref_slice %arg12[%mul3A_2, %dma_start3A_45] : memref<10112x64xf32, #tpu.memory_space<vmem_shared>> -> memref<632x64xf32, #tpu.memory_space<vmem_shared>>
      %dma_start3A_47 = arith.constant 0 : i32
      %dma_start3A_48 = tpu.memref_slice %arg2[%mul3A_2, %dma_start3A_47] : memref<10112x64xf32, #tpu.memory_space<hbm>> -> memref<632x64xf32, #tpu.memory_space<hbm>>
      tpu.enqueue_dma source(%dma_start3A_48 : memref<632x64xf32, #tpu.memory_space<hbm>>) target(%dma_start3A_46 : memref<632x64xf32, #tpu.memory_space<vmem_shared>>) target_semaphore(%run_scoped3A : memref<!tpu.dma_semaphore, #tpu.memory_space<semaphore_mem>>)
      %dma_wait3A_49 = arith.constant 0 : i32
      %dma_wait3A_50 = tpu.memref_slice %arg12[%mul3A_2, %dma_wait3A_49] : memref<10112x64xf32, #tpu.memory_space<vmem_shared>> -> memref<632x64xf32, #tpu.memory_space<vmem_shared>>
      %dma_wait3A_51 = arith.constant 0 : i32
      %dma_wait3A_52 = tpu.memref_slice %arg2[%mul3A_2, %dma_wait3A_51] : memref<10112x64xf32, #tpu.memory_space<hbm>> -> memref<632x64xf32, #tpu.memory_space<hbm>>
      tpu.wait_dma2 semaphore(%run_scoped3A : memref<!tpu.dma_semaphore, #tpu.memory_space<semaphore_mem>>) src(%dma_wait3A_52 : memref<632x64xf32, #tpu.memory_space<hbm>>) dst(%dma_wait3A_50 : memref<632x64xf32, #tpu.memory_space<vmem_shared>>)
      tpu.yield
    }) : () -> ()
    "tpu.region"() ({
      %run_scoped3A = tpu.sem_alloc : memref<!tpu.dma_semaphore, #tpu.memory_space<semaphore_mem>>
      %dma_start3A_45 = arith.constant 0 : i32
      %dma_start3A_46 = arith.constant 0 : i32
      %dma_start3A_47 = tpu.memref_slice %arg3[%add3A, %dma_start3A_45, %dma_start3A_46] : memref<32x40x128xi32, #tpu.memory_space<hbm>> -> memref<1x40x128xi32, #tpu.memory_space<hbm>>
      %dma_start3A_48 = tpu.memref_squeeze %dma_start3A_47 : memref<1x40x128xi32, #tpu.memory_space<hbm>> -> memref<40x128xi32, #tpu.memory_space<hbm>>
      %dma_start3A_49 = arith.constant 0 : i32
      %dma_start3A_50 = arith.constant 0 : i32
      %dma_start3A_51 = tpu.memref_slice %arg3[%add3A, %dma_start3A_49, %dma_start3A_50] : memref<32x40x128xi32, #tpu.memory_space<hbm>> -> memref<1x40x128xi32, #tpu.memory_space<hbm>>
      %dma_start3A_52 = tpu.memref_squeeze %dma_start3A_51 : memref<1x40x128xi32, #tpu.memory_space<hbm>> -> memref<40x128xi32, #tpu.memory_space<hbm>>
      tpu.enqueue_dma source(%dma_start3A_52 : memref<40x128xi32, #tpu.memory_space<hbm>>) target(%arg6 : memref<40x128xi32, #tpu.memory_space<vmem>>) target_semaphore(%run_scoped3A : memref<!tpu.dma_semaphore, #tpu.memory_space<semaphore_mem>>)
      %dma_wait3A_53 = arith.constant 0 : i32
      %dma_wait3A_54 = arith.constant 0 : i32
      %dma_wait3A_55 = tpu.memref_slice %arg3[%add3A, %dma_wait3A_53, %dma_wait3A_54] : memref<32x40x128xi32, #tpu.memory_space<hbm>> -> memref<1x40x128xi32, #tpu.memory_space<hbm>>
      %dma_wait3A_56 = tpu.memref_squeeze %dma_wait3A_55 : memref<1x40x128xi32, #tpu.memory_space<hbm>> -> memref<40x128xi32, #tpu.memory_space<hbm>>
      %dma_wait3A_57 = arith.constant 0 : i32
      %dma_wait3A_58 = arith.constant 0 : i32
      %dma_wait3A_59 = tpu.memref_slice %arg3[%add3A, %dma_wait3A_57, %dma_wait3A_58] : memref<32x40x128xi32, #tpu.memory_space<hbm>> -> memref<1x40x128xi32, #tpu.memory_space<hbm>>
      %dma_wait3A_60 = tpu.memref_squeeze %dma_wait3A_59 : memref<1x40x128xi32, #tpu.memory_space<hbm>> -> memref<40x128xi32, #tpu.memory_space<hbm>>
      tpu.wait_dma2 semaphore(%run_scoped3A : memref<!tpu.dma_semaphore, #tpu.memory_space<semaphore_mem>>) src(%dma_wait3A_60 : memref<40x128xi32, #tpu.memory_space<hbm>>) dst(%arg6 : memref<40x128xi32, #tpu.memory_space<vmem>>)
      tpu.yield
    }) : () -> ()
    "tpu.region"() ({
      %run_scoped3A = tpu.sem_alloc : memref<!tpu.dma_semaphore, #tpu.memory_space<semaphore_mem>>
      %dma_start3A_45 = arith.constant 0 : i32
      %dma_start3A_46 = arith.constant 0 : i32
      %dma_start3A_47 = tpu.memref_slice %arg4[%add3A, %dma_start3A_45, %dma_start3A_46] : memref<32x40x128xi32, #tpu.memory_space<hbm>> -> memref<1x40x128xi32, #tpu.memory_space<hbm>>
      %dma_start3A_48 = tpu.memref_squeeze %dma_start3A_47 : memref<1x40x128xi32, #tpu.memory_space<hbm>> -> memref<40x128xi32, #tpu.memory_space<hbm>>
      %dma_start3A_49 = arith.constant 0 : i32
      %dma_start3A_50 = arith.constant 0 : i32
      %dma_start3A_51 = tpu.memref_slice %arg4[%add3A, %dma_start3A_49, %dma_start3A_50] : memref<32x40x128xi32, #tpu.memory_space<hbm>> -> memref<1x40x128xi32, #tpu.memory_space<hbm>>
      %dma_start3A_52 = tpu.memref_squeeze %dma_start3A_51 : memref<1x40x128xi32, #tpu.memory_space<hbm>> -> memref<40x128xi32, #tpu.memory_space<hbm>>
      tpu.enqueue_dma source(%dma_start3A_52 : memref<40x128xi32, #tpu.memory_space<hbm>>) target(%arg7 : memref<40x128xi32, #tpu.memory_space<vmem>>) target_semaphore(%run_scoped3A : memref<!tpu.dma_semaphore, #tpu.memory_space<semaphore_mem>>)
      %dma_wait3A_53 = arith.constant 0 : i32
      %dma_wait3A_54 = arith.constant 0 : i32
      %dma_wait3A_55 = tpu.memref_slice %arg4[%add3A, %dma_wait3A_53, %dma_wait3A_54] : memref<32x40x128xi32, #tpu.memory_space<hbm>> -> memref<1x40x128xi32, #tpu.memory_space<hbm>>
      %dma_wait3A_56 = tpu.memref_squeeze %dma_wait3A_55 : memref<1x40x128xi32, #tpu.memory_space<hbm>> -> memref<40x128xi32, #tpu.memory_space<hbm>>
      %dma_wait3A_57 = arith.constant 0 : i32
      %dma_wait3A_58 = arith.constant 0 : i32
      %dma_wait3A_59 = tpu.memref_slice %arg4[%add3A, %dma_wait3A_57, %dma_wait3A_58] : memref<32x40x128xi32, #tpu.memory_space<hbm>> -> memref<1x40x128xi32, #tpu.memory_space<hbm>>
      %dma_wait3A_60 = tpu.memref_squeeze %dma_wait3A_59 : memref<1x40x128xi32, #tpu.memory_space<hbm>> -> memref<40x128xi32, #tpu.memory_space<hbm>>
      tpu.wait_dma2 semaphore(%run_scoped3A : memref<!tpu.dma_semaphore, #tpu.memory_space<semaphore_mem>>) src(%dma_wait3A_60 : memref<40x128xi32, #tpu.memory_space<hbm>>) dst(%arg7 : memref<40x128xi32, #tpu.memory_space<vmem>>)
      tpu.yield
    }) : () -> ()
    %barrier3A = arith.constant 0 : index
    tpu.barrier barrier_id(%barrier3A)
    %dma_start3A = arith.constant 0 : i32
    %dma_start3A_3 = arith.constant 0 : i32
    %dma_start3A_4 = tpu.memref_slice %arg6[%dma_start3A, %dma_start3A_3] : memref<40x128xi32, #tpu.memory_space<vmem>> -> memref<1x128xi32, #tpu.memory_space<vmem>>
    %dma_start3A_5 = tpu.memref_squeeze %dma_start3A_4 : memref<1x128xi32, #tpu.memory_space<vmem>> -> memref<128xi32, #tpu.memory_space<vmem>>
    %dma_start3A_6 = arith.constant 0 : i32
    %dma_start3A_7 = arith.constant 0 : i32
    %dma_start3A_8 = tpu.memref_slice %arg2[%dma_start3A_6, %dma_start3A_7] : memref<10112x64xf32, #tpu.memory_space<hbm>> -> memref<10112x64xf32, #tpu.memory_space<hbm>>
    tpu.enqueue_indirect_dma source(%dma_start3A_8 : memref<10112x64xf32, #tpu.memory_space<hbm>>) target(%arg8 : memref<128x64xf32, #tpu.memory_space<vmem>>) offsets(%dma_start3A_5 : memref<128xi32, #tpu.memory_space<vmem>>) semaphore(%arg13 : memref<!tpu.dma_semaphore, #tpu.memory_space<semaphore_mem>>)
    %dma_start3A_9 = arith.constant 1 : i32
    %dma_start3A_10 = arith.constant 0 : i32
    %dma_start3A_11 = tpu.memref_slice %arg6[%dma_start3A_9, %dma_start3A_10] : memref<40x128xi32, #tpu.memory_space<vmem>> -> memref<1x128xi32, #tpu.memory_space<vmem>>
    %dma_start3A_12 = tpu.memref_squeeze %dma_start3A_11 : memref<1x128xi32, #tpu.memory_space<vmem>> -> memref<128xi32, #tpu.memory_space<vmem>>
    %dma_start3A_13 = arith.constant 0 : i32
    %dma_start3A_14 = arith.constant 0 : i32
    %dma_start3A_15 = tpu.memref_slice %arg2[%dma_start3A_13, %dma_start3A_14] : memref<10112x64xf32, #tpu.memory_space<hbm>> -> memref<10112x64xf32, #tpu.memory_space<hbm>>
    tpu.enqueue_indirect_dma source(%dma_start3A_15 : memref<10112x64xf32, #tpu.memory_space<hbm>>) target(%arg9 : memref<128x64xf32, #tpu.memory_space<vmem>>) offsets(%dma_start3A_12 : memref<128xi32, #tpu.memory_space<vmem>>) semaphore(%arg14 : memref<!tpu.dma_semaphore, #tpu.memory_space<semaphore_mem>>)
    %scan3A = arith.constant 0 : i32
    %scan3A_16 = arith.constant 0 : i32
    %scan3A_17 = arith.constant 10 : i32
    %scan3A_18 = arith.addi %scan3A_16, %scan3A_17 : i32
    %scan3A_19 = arith.constant 1 : i32
    scf.for %scan3A_45 = %scan3A_16 to %scan3A_18 step %scan3A_19  : i32 {
      %mul3A_46 = arith.constant 4 : i32
      %mul3A_47 = arith.muli %scan3A_45, %mul3A_46 : i32
      %dma_wait3A_48 = arith.constant 0 : i32
      %dma_wait3A_49 = arith.constant 0 : i32
      %dma_wait3A_50 = tpu.memref_slice %arg2[%dma_wait3A_48, %dma_wait3A_49] : memref<10112x64xf32, #tpu.memory_space<hbm>> -> memref<128x64xf32, #tpu.memory_space<hbm>>
      %dma_wait3A_51 = arith.constant 0 : i32
      %dma_wait3A_52 = arith.constant 0 : i32
      %dma_wait3A_53 = tpu.memref_slice %arg2[%dma_wait3A_51, %dma_wait3A_52] : memref<10112x64xf32, #tpu.memory_space<hbm>> -> memref<128x64xf32, #tpu.memory_space<hbm>>
      tpu.wait_dma2 semaphore(%arg13 : memref<!tpu.dma_semaphore, #tpu.memory_space<semaphore_mem>>) src(%dma_wait3A_53 : memref<128x64xf32, #tpu.memory_space<hbm>>) dst(%arg8 : memref<128x64xf32, #tpu.memory_space<vmem>>)
      %add3A_54 = arith.constant 0 : i32
      %add3A_55 = arith.addi %mul3A_47, %add3A_54 : i32
      %dma_start3A_56 = arith.constant 0 : i32
      %dma_start3A_57 = tpu.memref_slice %arg7[%add3A_55, %dma_start3A_56] : memref<40x128xi32, #tpu.memory_space<vmem>> -> memref<1x128xi32, #tpu.memory_space<vmem>>
      %dma_start3A_58 = tpu.memref_squeeze %dma_start3A_57 : memref<1x128xi32, #tpu.memory_space<vmem>> -> memref<128xi32, #tpu.memory_space<vmem>>
      %dma_start3A_59 = arith.constant 0 : i32
      %dma_start3A_60 = arith.constant 0 : i32
      %dma_start3A_61 = tpu.memref_slice %arg12[%dma_start3A_59, %dma_start3A_60] : memref<10112x64xf32, #tpu.memory_space<vmem_shared>> -> memref<10112x64xf32, #tpu.memory_space<vmem_shared>>
      tpu.enqueue_indirect_dma source(%arg8 : memref<128x64xf32, #tpu.memory_space<vmem>>) target(%dma_start3A_61 : memref<10112x64xf32, #tpu.memory_space<vmem_shared>>) offsets(%dma_start3A_58 : memref<128xi32, #tpu.memory_space<vmem>>) semaphore(%arg17 : memref<!tpu.dma_semaphore, #tpu.memory_space<semaphore_mem>>) {add = true}
      %add3A_62 = arith.constant 0 : i32
      %add3A_63 = arith.addi %mul3A_47, %add3A_62 : i32
      %add3A_64 = arith.constant 2 : i32
      %add3A_65 = arith.addi %add3A_63, %add3A_64 : i32
      %lt3A = arith.constant 40 : i32
      %lt3A_66 = arith.cmpi slt, %add3A_65, %lt3A : i32
      %convert_element_type3A = arith.extui %lt3A_66 : i1 to i32
      %cond3A = arith.constant 0 : i32
      %cond3A_67 = arith.cmpi ne, %convert_element_type3A, %cond3A : i32
      scf.if %cond3A_67 {
        %add3A_137 = arith.constant 0 : i32
        %add3A_138 = arith.addi %mul3A_47, %add3A_137 : i32
        %ge3A = arith.constant 2 : i32
        %ge3A_139 = arith.cmpi sge, %add3A_138, %ge3A : i32
        %convert_element_type3A_140 = arith.extui %ge3A_139 : i1 to i32
        %cond3A_141 = arith.constant 0 : i32
        %cond3A_142 = arith.cmpi ne, %convert_element_type3A_140, %cond3A_141 : i32
        scf.if %cond3A_142 {
          %dma_wait3A_153 = arith.constant 0 : i32
          %dma_wait3A_154 = arith.constant 0 : i32
          %dma_wait3A_155 = tpu.memref_slice %arg12[%dma_wait3A_153, %dma_wait3A_154] : memref<10112x64xf32, #tpu.memory_space<vmem_shared>> -> memref<128x64xf32, #tpu.memory_space<vmem_shared>>
          %dma_wait3A_156 = arith.constant 0 : i32
          %dma_wait3A_157 = arith.constant 0 : i32
          %dma_wait3A_158 = tpu.memref_slice %arg12[%dma_wait3A_156, %dma_wait3A_157] : memref<10112x64xf32, #tpu.memory_space<vmem_shared>> -> memref<128x64xf32, #tpu.memory_space<vmem_shared>>
          tpu.wait_dma2 semaphore(%arg19 : memref<!tpu.dma_semaphore, #tpu.memory_space<semaphore_mem>>) src(%arg10 : memref<128x64xf32, #tpu.memory_space<vmem>>) dst(%dma_wait3A_158 : memref<128x64xf32, #tpu.memory_space<vmem_shared>>)
        } else {
        }
        %add3A_143 = arith.constant 0 : i32
        %add3A_144 = arith.addi %mul3A_47, %add3A_143 : i32
        %add3A_145 = arith.constant 2 : i32
        %add3A_146 = arith.addi %add3A_144, %add3A_145 : i32
        %dma_start3A_147 = arith.constant 0 : i32
        %dma_start3A_148 = tpu.memref_slice %arg6[%add3A_146, %dma_start3A_147] : memref<40x128xi32, #tpu.memory_space<vmem>> -> memref<1x128xi32, #tpu.memory_space<vmem>>
        %dma_start3A_149 = tpu.memref_squeeze %dma_start3A_148 : memref<1x128xi32, #tpu.memory_space<vmem>> -> memref<128xi32, #tpu.memory_space<vmem>>
        %dma_start3A_150 = arith.constant 0 : i32
        %dma_start3A_151 = arith.constant 0 : i32
        %dma_start3A_152 = tpu.memref_slice %arg2[%dma_start3A_150, %dma_start3A_151] : memref<10112x64xf32, #tpu.memory_space<hbm>> -> memref<10112x64xf32, #tpu.memory_space<hbm>>
        tpu.enqueue_indirect_dma source(%dma_start3A_152 : memref<10112x64xf32, #tpu.memory_space<hbm>>) target(%arg10 : memref<128x64xf32, #tpu.memory_space<vmem>>) offsets(%dma_start3A_149 : memref<128xi32, #tpu.memory_space<vmem>>) semaphore(%arg15 : memref<!tpu.dma_semaphore, #tpu.memory_space<semaphore_mem>>)
      } else {
      }
      %dma_wait3A_68 = arith.constant 0 : i32
      %dma_wait3A_69 = arith.constant 0 : i32
      %dma_wait3A_70 = tpu.memref_slice %arg2[%dma_wait3A_68, %dma_wait3A_69] : memref<10112x64xf32, #tpu.memory_space<hbm>> -> memref<128x64xf32, #tpu.memory_space<hbm>>
      %dma_wait3A_71 = arith.constant 0 : i32
      %dma_wait3A_72 = arith.constant 0 : i32
      %dma_wait3A_73 = tpu.memref_slice %arg2[%dma_wait3A_71, %dma_wait3A_72] : memref<10112x64xf32, #tpu.memory_space<hbm>> -> memref<128x64xf32, #tpu.memory_space<hbm>>
      tpu.wait_dma2 semaphore(%arg14 : memref<!tpu.dma_semaphore, #tpu.memory_space<semaphore_mem>>) src(%dma_wait3A_73 : memref<128x64xf32, #tpu.memory_space<hbm>>) dst(%arg9 : memref<128x64xf32, #tpu.memory_space<vmem>>)
      %add3A_74 = arith.constant 1 : i32
      %add3A_75 = arith.addi %mul3A_47, %add3A_74 : i32
      %dma_start3A_76 = arith.constant 0 : i32
      %dma_start3A_77 = tpu.memref_slice %arg7[%add3A_75, %dma_start3A_76] : memref<40x128xi32, #tpu.memory_space<vmem>> -> memref<1x128xi32, #tpu.memory_space<vmem>>
      %dma_start3A_78 = tpu.memref_squeeze %dma_start3A_77 : memref<1x128xi32, #tpu.memory_space<vmem>> -> memref<128xi32, #tpu.memory_space<vmem>>
      %dma_start3A_79 = arith.constant 0 : i32
      %dma_start3A_80 = arith.constant 0 : i32
      %dma_start3A_81 = tpu.memref_slice %arg12[%dma_start3A_79, %dma_start3A_80] : memref<10112x64xf32, #tpu.memory_space<vmem_shared>> -> memref<10112x64xf32, #tpu.memory_space<vmem_shared>>
      tpu.enqueue_indirect_dma source(%arg9 : memref<128x64xf32, #tpu.memory_space<vmem>>) target(%dma_start3A_81 : memref<10112x64xf32, #tpu.memory_space<vmem_shared>>) offsets(%dma_start3A_78 : memref<128xi32, #tpu.memory_space<vmem>>) semaphore(%arg18 : memref<!tpu.dma_semaphore, #tpu.memory_space<semaphore_mem>>) {add = true}
      %add3A_82 = arith.constant 1 : i32
      %add3A_83 = arith.addi %mul3A_47, %add3A_82 : i32
      %add3A_84 = arith.constant 2 : i32
      %add3A_85 = arith.addi %add3A_83, %add3A_84 : i32
      %lt3A_86 = arith.constant 40 : i32
      %lt3A_87 = arith.cmpi slt, %add3A_85, %lt3A_86 : i32
      %convert_element_type3A_88 = arith.extui %lt3A_87 : i1 to i32
      %cond3A_89 = arith.constant 0 : i32
      %cond3A_90 = arith.cmpi ne, %convert_element_type3A_88, %cond3A_89 : i32
      scf.if %cond3A_90 {
        %add3A_137 = arith.constant 1 : i32
        %add3A_138 = arith.addi %mul3A_47, %add3A_137 : i32
        %ge3A = arith.constant 2 : i32
        %ge3A_139 = arith.cmpi sge, %add3A_138, %ge3A : i32
        %convert_element_type3A_140 = arith.extui %ge3A_139 : i1 to i32
        %cond3A_141 = arith.constant 0 : i32
        %cond3A_142 = arith.cmpi ne, %convert_element_type3A_140, %cond3A_141 : i32
        scf.if %cond3A_142 {
          %dma_wait3A_153 = arith.constant 0 : i32
          %dma_wait3A_154 = arith.constant 0 : i32
          %dma_wait3A_155 = tpu.memref_slice %arg12[%dma_wait3A_153, %dma_wait3A_154] : memref<10112x64xf32, #tpu.memory_space<vmem_shared>> -> memref<128x64xf32, #tpu.memory_space<vmem_shared>>
          %dma_wait3A_156 = arith.constant 0 : i32
          %dma_wait3A_157 = arith.constant 0 : i32
          %dma_wait3A_158 = tpu.memref_slice %arg12[%dma_wait3A_156, %dma_wait3A_157] : memref<10112x64xf32, #tpu.memory_space<vmem_shared>> -> memref<128x64xf32, #tpu.memory_space<vmem_shared>>
          tpu.wait_dma2 semaphore(%arg20 : memref<!tpu.dma_semaphore, #tpu.memory_space<semaphore_mem>>) src(%arg11 : memref<128x64xf32, #tpu.memory_space<vmem>>) dst(%dma_wait3A_158 : memref<128x64xf32, #tpu.memory_space<vmem_shared>>)
        } else {
        }
        %add3A_143 = arith.constant 1 : i32
        %add3A_144 = arith.addi %mul3A_47, %add3A_143 : i32
        %add3A_145 = arith.constant 2 : i32
        %add3A_146 = arith.addi %add3A_144, %add3A_145 : i32
        %dma_start3A_147 = arith.constant 0 : i32
        %dma_start3A_148 = tpu.memref_slice %arg6[%add3A_146, %dma_start3A_147] : memref<40x128xi32, #tpu.memory_space<vmem>> -> memref<1x128xi32, #tpu.memory_space<vmem>>
        %dma_start3A_149 = tpu.memref_squeeze %dma_start3A_148 : memref<1x128xi32, #tpu.memory_space<vmem>> -> memref<128xi32, #tpu.memory_space<vmem>>
        %dma_start3A_150 = arith.constant 0 : i32
        %dma_start3A_151 = arith.constant 0 : i32
        %dma_start3A_152 = tpu.memref_slice %arg2[%dma_start3A_150, %dma_start3A_151] : memref<10112x64xf32, #tpu.memory_space<hbm>> -> memref<10112x64xf32, #tpu.memory_space<hbm>>
        tpu.enqueue_indirect_dma source(%dma_start3A_152 : memref<10112x64xf32, #tpu.memory_space<hbm>>) target(%arg11 : memref<128x64xf32, #tpu.memory_space<vmem>>) offsets(%dma_start3A_149 : memref<128xi32, #tpu.memory_space<vmem>>) semaphore(%arg16 : memref<!tpu.dma_semaphore, #tpu.memory_space<semaphore_mem>>)
      } else {
      }
      %dma_wait3A_91 = arith.constant 0 : i32
      %dma_wait3A_92 = arith.constant 0 : i32
      %dma_wait3A_93 = tpu.memref_slice %arg2[%dma_wait3A_91, %dma_wait3A_92] : memref<10112x64xf32, #tpu.memory_space<hbm>> -> memref<128x64xf32, #tpu.memory_space<hbm>>
      %dma_wait3A_94 = arith.constant 0 : i32
      %dma_wait3A_95 = arith.constant 0 : i32
      %dma_wait3A_96 = tpu.memref_slice %arg2[%dma_wait3A_94, %dma_wait3A_95] : memref<10112x64xf32, #tpu.memory_space<hbm>> -> memref<128x64xf32, #tpu.memory_space<hbm>>
      tpu.wait_dma2 semaphore(%arg15 : memref<!tpu.dma_semaphore, #tpu.memory_space<semaphore_mem>>) src(%dma_wait3A_96 : memref<128x64xf32, #tpu.memory_space<hbm>>) dst(%arg10 : memref<128x64xf32, #tpu.memory_space<vmem>>)
      %add3A_97 = arith.constant 2 : i32
      %add3A_98 = arith.addi %mul3A_47, %add3A_97 : i32
      %dma_start3A_99 = arith.constant 0 : i32
      %dma_start3A_100 = tpu.memref_slice %arg7[%add3A_98, %dma_start3A_99] : memref<40x128xi32, #tpu.memory_space<vmem>> -> memref<1x128xi32, #tpu.memory_space<vmem>>
      %dma_start3A_101 = tpu.memref_squeeze %dma_start3A_100 : memref<1x128xi32, #tpu.memory_space<vmem>> -> memref<128xi32, #tpu.memory_space<vmem>>
      %dma_start3A_102 = arith.constant 0 : i32
      %dma_start3A_103 = arith.constant 0 : i32
      %dma_start3A_104 = tpu.memref_slice %arg12[%dma_start3A_102, %dma_start3A_103] : memref<10112x64xf32, #tpu.memory_space<vmem_shared>> -> memref<10112x64xf32, #tpu.memory_space<vmem_shared>>
      tpu.enqueue_indirect_dma source(%arg10 : memref<128x64xf32, #tpu.memory_space<vmem>>) target(%dma_start3A_104 : memref<10112x64xf32, #tpu.memory_space<vmem_shared>>) offsets(%dma_start3A_101 : memref<128xi32, #tpu.memory_space<vmem>>) semaphore(%arg19 : memref<!tpu.dma_semaphore, #tpu.memory_space<semaphore_mem>>) {add = true}
      %add3A_105 = arith.constant 2 : i32
      %add3A_106 = arith.addi %mul3A_47, %add3A_105 : i32
      %add3A_107 = arith.constant 2 : i32
      %add3A_108 = arith.addi %add3A_106, %add3A_107 : i32
      %lt3A_109 = arith.constant 40 : i32
      %lt3A_110 = arith.cmpi slt, %add3A_108, %lt3A_109 : i32
      %convert_element_type3A_111 = arith.extui %lt3A_110 : i1 to i32
      %cond3A_112 = arith.constant 0 : i32
      %cond3A_113 = arith.cmpi ne, %convert_element_type3A_111, %cond3A_112 : i32
      scf.if %cond3A_113 {
        %add3A_137 = arith.constant 2 : i32
        %add3A_138 = arith.addi %mul3A_47, %add3A_137 : i32
        %ge3A = arith.constant 2 : i32
        %ge3A_139 = arith.cmpi sge, %add3A_138, %ge3A : i32
        %convert_element_type3A_140 = arith.extui %ge3A_139 : i1 to i32
        %cond3A_141 = arith.constant 0 : i32
        %cond3A_142 = arith.cmpi ne, %convert_element_type3A_140, %cond3A_141 : i32
        scf.if %cond3A_142 {
          %dma_wait3A_153 = arith.constant 0 : i32
          %dma_wait3A_154 = arith.constant 0 : i32
          %dma_wait3A_155 = tpu.memref_slice %arg12[%dma_wait3A_153, %dma_wait3A_154] : memref<10112x64xf32, #tpu.memory_space<vmem_shared>> -> memref<128x64xf32, #tpu.memory_space<vmem_shared>>
          %dma_wait3A_156 = arith.constant 0 : i32
          %dma_wait3A_157 = arith.constant 0 : i32
          %dma_wait3A_158 = tpu.memref_slice %arg12[%dma_wait3A_156, %dma_wait3A_157] : memref<10112x64xf32, #tpu.memory_space<vmem_shared>> -> memref<128x64xf32, #tpu.memory_space<vmem_shared>>
          tpu.wait_dma2 semaphore(%arg17 : memref<!tpu.dma_semaphore, #tpu.memory_space<semaphore_mem>>) src(%arg8 : memref<128x64xf32, #tpu.memory_space<vmem>>) dst(%dma_wait3A_158 : memref<128x64xf32, #tpu.memory_space<vmem_shared>>)
        } else {
        }
        %add3A_143 = arith.constant 2 : i32
        %add3A_144 = arith.addi %mul3A_47, %add3A_143 : i32
        %add3A_145 = arith.constant 2 : i32
        %add3A_146 = arith.addi %add3A_144, %add3A_145 : i32
        %dma_start3A_147 = arith.constant 0 : i32
        %dma_start3A_148 = tpu.memref_slice %arg6[%add3A_146, %dma_start3A_147] : memref<40x128xi32, #tpu.memory_space<vmem>> -> memref<1x128xi32, #tpu.memory_space<vmem>>
        %dma_start3A_149 = tpu.memref_squeeze %dma_start3A_148 : memref<1x128xi32, #tpu.memory_space<vmem>> -> memref<128xi32, #tpu.memory_space<vmem>>
        %dma_start3A_150 = arith.constant 0 : i32
        %dma_start3A_151 = arith.constant 0 : i32
        %dma_start3A_152 = tpu.memref_slice %arg2[%dma_start3A_150, %dma_start3A_151] : memref<10112x64xf32, #tpu.memory_space<hbm>> -> memref<10112x64xf32, #tpu.memory_space<hbm>>
        tpu.enqueue_indirect_dma source(%dma_start3A_152 : memref<10112x64xf32, #tpu.memory_space<hbm>>) target(%arg8 : memref<128x64xf32, #tpu.memory_space<vmem>>) offsets(%dma_start3A_149 : memref<128xi32, #tpu.memory_space<vmem>>) semaphore(%arg13 : memref<!tpu.dma_semaphore, #tpu.memory_space<semaphore_mem>>)
      } else {
      }
      %dma_wait3A_114 = arith.constant 0 : i32
      %dma_wait3A_115 = arith.constant 0 : i32
      %dma_wait3A_116 = tpu.memref_slice %arg2[%dma_wait3A_114, %dma_wait3A_115] : memref<10112x64xf32, #tpu.memory_space<hbm>> -> memref<128x64xf32, #tpu.memory_space<hbm>>
      %dma_wait3A_117 = arith.constant 0 : i32
      %dma_wait3A_118 = arith.constant 0 : i32
      %dma_wait3A_119 = tpu.memref_slice %arg2[%dma_wait3A_117, %dma_wait3A_118] : memref<10112x64xf32, #tpu.memory_space<hbm>> -> memref<128x64xf32, #tpu.memory_space<hbm>>
      tpu.wait_dma2 semaphore(%arg16 : memref<!tpu.dma_semaphore, #tpu.memory_space<semaphore_mem>>) src(%dma_wait3A_119 : memref<128x64xf32, #tpu.memory_space<hbm>>) dst(%arg11 : memref<128x64xf32, #tpu.memory_space<vmem>>)
      %add3A_120 = arith.constant 3 : i32
      %add3A_121 = arith.addi %mul3A_47, %add3A_120 : i32
      %dma_start3A_122 = arith.constant 0 : i32
      %dma_start3A_123 = tpu.memref_slice %arg7[%add3A_121, %dma_start3A_122] : memref<40x128xi32, #tpu.memory_space<vmem>> -> memref<1x128xi32, #tpu.memory_space<vmem>>
      %dma_start3A_124 = tpu.memref_squeeze %dma_start3A_123 : memref<1x128xi32, #tpu.memory_space<vmem>> -> memref<128xi32, #tpu.memory_space<vmem>>
      %dma_start3A_125 = arith.constant 0 : i32
      %dma_start3A_126 = arith.constant 0 : i32
      %dma_start3A_127 = tpu.memref_slice %arg12[%dma_start3A_125, %dma_start3A_126] : memref<10112x64xf32, #tpu.memory_space<vmem_shared>> -> memref<10112x64xf32, #tpu.memory_space<vmem_shared>>
      tpu.enqueue_indirect_dma source(%arg11 : memref<128x64xf32, #tpu.memory_space<vmem>>) target(%dma_start3A_127 : memref<10112x64xf32, #tpu.memory_space<vmem_shared>>) offsets(%dma_start3A_124 : memref<128xi32, #tpu.memory_space<vmem>>) semaphore(%arg20 : memref<!tpu.dma_semaphore, #tpu.memory_space<semaphore_mem>>) {add = true}
      %add3A_128 = arith.constant 3 : i32
      %add3A_129 = arith.addi %mul3A_47, %add3A_128 : i32
      %add3A_130 = arith.constant 2 : i32
      %add3A_131 = arith.addi %add3A_129, %add3A_130 : i32
      %lt3A_132 = arith.constant 40 : i32
      %lt3A_133 = arith.cmpi slt, %add3A_131, %lt3A_132 : i32
      %convert_element_type3A_134 = arith.extui %lt3A_133 : i1 to i32
      %cond3A_135 = arith.constant 0 : i32
      %cond3A_136 = arith.cmpi ne, %convert_element_type3A_134, %cond3A_135 : i32
      scf.if %cond3A_136 {
        %add3A_137 = arith.constant 3 : i32
        %add3A_138 = arith.addi %mul3A_47, %add3A_137 : i32
        %ge3A = arith.constant 2 : i32
        %ge3A_139 = arith.cmpi sge, %add3A_138, %ge3A : i32
        %convert_element_type3A_140 = arith.extui %ge3A_139 : i1 to i32
        %cond3A_141 = arith.constant 0 : i32
        %cond3A_142 = arith.cmpi ne, %convert_element_type3A_140, %cond3A_141 : i32
        scf.if %cond3A_142 {
          %dma_wait3A_153 = arith.constant 0 : i32
          %dma_wait3A_154 = arith.constant 0 : i32
          %dma_wait3A_155 = tpu.memref_slice %arg12[%dma_wait3A_153, %dma_wait3A_154] : memref<10112x64xf32, #tpu.memory_space<vmem_shared>> -> memref<128x64xf32, #tpu.memory_space<vmem_shared>>
          %dma_wait3A_156 = arith.constant 0 : i32
          %dma_wait3A_157 = arith.constant 0 : i32
          %dma_wait3A_158 = tpu.memref_slice %arg12[%dma_wait3A_156, %dma_wait3A_157] : memref<10112x64xf32, #tpu.memory_space<vmem_shared>> -> memref<128x64xf32, #tpu.memory_space<vmem_shared>>
          tpu.wait_dma2 semaphore(%arg18 : memref<!tpu.dma_semaphore, #tpu.memory_space<semaphore_mem>>) src(%arg9 : memref<128x64xf32, #tpu.memory_space<vmem>>) dst(%dma_wait3A_158 : memref<128x64xf32, #tpu.memory_space<vmem_shared>>)
        } else {
        }
        %add3A_143 = arith.constant 3 : i32
        %add3A_144 = arith.addi %mul3A_47, %add3A_143 : i32
        %add3A_145 = arith.constant 2 : i32
        %add3A_146 = arith.addi %add3A_144, %add3A_145 : i32
        %dma_start3A_147 = arith.constant 0 : i32
        %dma_start3A_148 = tpu.memref_slice %arg6[%add3A_146, %dma_start3A_147] : memref<40x128xi32, #tpu.memory_space<vmem>> -> memref<1x128xi32, #tpu.memory_space<vmem>>
        %dma_start3A_149 = tpu.memref_squeeze %dma_start3A_148 : memref<1x128xi32, #tpu.memory_space<vmem>> -> memref<128xi32, #tpu.memory_space<vmem>>
        %dma_start3A_150 = arith.constant 0 : i32
        %dma_start3A_151 = arith.constant 0 : i32
        %dma_start3A_152 = tpu.memref_slice %arg2[%dma_start3A_150, %dma_start3A_151] : memref<10112x64xf32, #tpu.memory_space<hbm>> -> memref<10112x64xf32, #tpu.memory_space<hbm>>
        tpu.enqueue_indirect_dma source(%dma_start3A_152 : memref<10112x64xf32, #tpu.memory_space<hbm>>) target(%arg9 : memref<128x64xf32, #tpu.memory_space<vmem>>) offsets(%dma_start3A_149 : memref<128xi32, #tpu.memory_space<vmem>>) semaphore(%arg14 : memref<!tpu.dma_semaphore, #tpu.memory_space<semaphore_mem>>)
      } else {
      }
    }
    %scan3A_20 = arith.constant 10 : i32
    %dma_wait3A = arith.constant 0 : i32
    %dma_wait3A_21 = arith.constant 0 : i32
    %dma_wait3A_22 = tpu.memref_slice %arg12[%dma_wait3A, %dma_wait3A_21] : memref<10112x64xf32, #tpu.memory_space<vmem_shared>> -> memref<128x64xf32, #tpu.memory_space<vmem_shared>>
    %dma_wait3A_23 = arith.constant 0 : i32
    %dma_wait3A_24 = arith.constant 0 : i32
    %dma_wait3A_25 = tpu.memref_slice %arg12[%dma_wait3A_23, %dma_wait3A_24] : memref<10112x64xf32, #tpu.memory_space<vmem_shared>> -> memref<128x64xf32, #tpu.memory_space<vmem_shared>>
    tpu.wait_dma2 semaphore(%arg17 : memref<!tpu.dma_semaphore, #tpu.memory_space<semaphore_mem>>) src(%arg8 : memref<128x64xf32, #tpu.memory_space<vmem>>) dst(%dma_wait3A_25 : memref<128x64xf32, #tpu.memory_space<vmem_shared>>)
    %dma_wait3A_26 = arith.constant 0 : i32
    %dma_wait3A_27 = arith.constant 0 : i32
    %dma_wait3A_28 = tpu.memref_slice %arg12[%dma_wait3A_26, %dma_wait3A_27] : memref<10112x64xf32, #tpu.memory_space<vmem_shared>> -> memref<128x64xf32, #tpu.memory_space<vmem_shared>>
    %dma_wait3A_29 = arith.constant 0 : i32
    %dma_wait3A_30 = arith.constant 0 : i32
    %dma_wait3A_31 = tpu.memref_slice %arg12[%dma_wait3A_29, %dma_wait3A_30] : memref<10112x64xf32, #tpu.memory_space<vmem_shared>> -> memref<128x64xf32, #tpu.memory_space<vmem_shared>>
    tpu.wait_dma2 semaphore(%arg18 : memref<!tpu.dma_semaphore, #tpu.memory_space<semaphore_mem>>) src(%arg9 : memref<128x64xf32, #tpu.memory_space<vmem>>) dst(%dma_wait3A_31 : memref<128x64xf32, #tpu.memory_space<vmem_shared>>)
    %dma_wait3A_32 = arith.constant 0 : i32
    %dma_wait3A_33 = arith.constant 0 : i32
    %dma_wait3A_34 = tpu.memref_slice %arg12[%dma_wait3A_32, %dma_wait3A_33] : memref<10112x64xf32, #tpu.memory_space<vmem_shared>> -> memref<128x64xf32, #tpu.memory_space<vmem_shared>>
    %dma_wait3A_35 = arith.constant 0 : i32
    %dma_wait3A_36 = arith.constant 0 : i32
    %dma_wait3A_37 = tpu.memref_slice %arg12[%dma_wait3A_35, %dma_wait3A_36] : memref<10112x64xf32, #tpu.memory_space<vmem_shared>> -> memref<128x64xf32, #tpu.memory_space<vmem_shared>>
    tpu.wait_dma2 semaphore(%arg19 : memref<!tpu.dma_semaphore, #tpu.memory_space<semaphore_mem>>) src(%arg10 : memref<128x64xf32, #tpu.memory_space<vmem>>) dst(%dma_wait3A_37 : memref<128x64xf32, #tpu.memory_space<vmem_shared>>)
    %dma_wait3A_38 = arith.constant 0 : i32
    %dma_wait3A_39 = arith.constant 0 : i32
    %dma_wait3A_40 = tpu.memref_slice %arg12[%dma_wait3A_38, %dma_wait3A_39] : memref<10112x64xf32, #tpu.memory_space<vmem_shared>> -> memref<128x64xf32, #tpu.memory_space<vmem_shared>>
    %dma_wait3A_41 = arith.constant 0 : i32
    %dma_wait3A_42 = arith.constant 0 : i32
    %dma_wait3A_43 = tpu.memref_slice %arg12[%dma_wait3A_41, %dma_wait3A_42] : memref<10112x64xf32, #tpu.memory_space<vmem_shared>> -> memref<128x64xf32, #tpu.memory_space<vmem_shared>>
    tpu.wait_dma2 semaphore(%arg20 : memref<!tpu.dma_semaphore, #tpu.memory_space<semaphore_mem>>) src(%arg11 : memref<128x64xf32, #tpu.memory_space<vmem>>) dst(%dma_wait3A_43 : memref<128x64xf32, #tpu.memory_space<vmem_shared>>)
    %barrier3A_44 = arith.constant 0 : index
    tpu.barrier barrier_id(%barrier3A_44)
    "tpu.region"() ({
      %run_scoped3A = tpu.sem_alloc : memref<!tpu.dma_semaphore, #tpu.memory_space<semaphore_mem>>
      %dma_start3A_45 = arith.constant 0 : i32
      %dma_start3A_46 = tpu.memref_slice %arg5[%arg0, %mul3A_2, %dma_start3A_45] : memref<2x10112x64xf32, #tpu.memory_space<hbm>> -> memref<1x632x64xf32, #tpu.memory_space<hbm>>
      %dma_start3A_47 = tpu.memref_squeeze %dma_start3A_46 : memref<1x632x64xf32, #tpu.memory_space<hbm>> -> memref<632x64xf32, #tpu.memory_space<hbm>>
      %dma_start3A_48 = arith.constant 0 : i32
      %dma_start3A_49 = tpu.memref_slice %arg12[%mul3A_2, %dma_start3A_48] : memref<10112x64xf32, #tpu.memory_space<vmem_shared>> -> memref<632x64xf32, #tpu.memory_space<vmem_shared>>
      tpu.enqueue_dma source(%dma_start3A_49 : memref<632x64xf32, #tpu.memory_space<vmem_shared>>) target(%dma_start3A_47 : memref<632x64xf32, #tpu.memory_space<hbm>>) target_semaphore(%run_scoped3A : memref<!tpu.dma_semaphore, #tpu.memory_space<semaphore_mem>>)
      %dma_wait3A_50 = arith.constant 0 : i32
      %dma_wait3A_51 = tpu.memref_slice %arg5[%arg0, %mul3A_2, %dma_wait3A_50] : memref<2x10112x64xf32, #tpu.memory_space<hbm>> -> memref<1x632x64xf32, #tpu.memory_space<hbm>>
      %dma_wait3A_52 = tpu.memref_squeeze %dma_wait3A_51 : memref<1x632x64xf32, #tpu.memory_space<hbm>> -> memref<632x64xf32, #tpu.memory_space<hbm>>
      %dma_wait3A_53 = arith.constant 0 : i32
      %dma_wait3A_54 = tpu.memref_slice %arg12[%mul3A_2, %dma_wait3A_53] : memref<10112x64xf32, #tpu.memory_space<vmem_shared>> -> memref<632x64xf32, #tpu.memory_space<vmem_shared>>
      tpu.wait_dma2 semaphore(%run_scoped3A : memref<!tpu.dma_semaphore, #tpu.memory_space<semaphore_mem>>) src(%dma_wait3A_54 : memref<632x64xf32, #tpu.memory_space<vmem_shared>>) dst(%dma_wait3A_52 : memref<632x64xf32, #tpu.memory_space<hbm>>)
      tpu.yield
    }) : () -> ()
    return
  }
}

#map = affine_map<(d0, d1) -> (0, 0, 0)>
module attributes {stable_mosaic.version = 14 : i64} {
  func.func @_deg_kernel(%arg0: i32, %arg1: i32, %arg2: memref<32x40x128xi32, #tpu.memory_space<hbm>>, %arg3: memref<2x10112x16xf32, #tpu.memory_space<hbm>>, %arg4: memref<40x128xi32, #tpu.memory_space<vmem>>, %arg5: memref<128x16xf32, #tpu.memory_space<vmem>>, %arg6: memref<632x16xf32, #tpu.memory_space<vmem>>, %arg7: memref<10112x16xf32, #tpu.memory_space<vmem_shared>>, %arg8: memref<!tpu.dma_semaphore, #tpu.memory_space<semaphore_mem>>) attributes {dimension_semantics = [#tpu.dimension_semantics<core_parallel>, #tpu.dimension_semantics<subcore_parallel>], iteration_bounds = array<i64: 2, 16>, scalar_prefetch = 0 : i64, scratch_operands = 5 : i64, tpu.core_type = #tpu.core_type<sc_vector_subcore>, window_params = [{transform_indices = #map}, {transform_indices = #map}]} {
    %mul3A = arith.constant 16 : i32
    %mul3A_0 = arith.muli %arg0, %mul3A : i32
    %add3A = arith.addi %mul3A_0, %arg1 : i32
    %mul3A_1 = arith.constant 632 : i32
    %mul3A_2 = arith.muli %arg1, %mul3A_1 : i32
    %broadcast_in_dim3A = arith.constant 1.000000e+00 : f32
    %broadcast_in_dim3A_3 = vector.broadcast %broadcast_in_dim3A : f32 to vector<16xf32>
    %broadcast_in_dim3A_4 = arith.constant 0.000000e+00 : f32
    %broadcast_in_dim3A_5 = vector.broadcast %broadcast_in_dim3A_4 : f32 to vector<16xf32>
    %scan3A = arith.constant 0 : i32
    %scan3A_6 = arith.constant 0 : i32
    %scan3A_7 = arith.constant 128 : i32
    %scan3A_8 = arith.addi %scan3A_6, %scan3A_7 : i32
    %scan3A_9 = arith.constant 1 : i32
    scf.for %scan3A_30 = %scan3A_6 to %scan3A_8 step %scan3A_9  : i32 {
      %swap3A = arith.index_cast %scan3A_30 : i32 to index
      %swap3A_31 = arith.constant 0 : index
      %swap3A_32 = tpu.vector_load %arg5[%swap3A, %swap3A_31] {strides = array<i32>} : memref<128x16xf32, #tpu.memory_space<vmem>>, vector<1x16xf32>,
      %swap3A_33 = vector.shape_cast %swap3A_32 : vector<1x16xf32> to vector<16xf32>
      %swap3A_34 = vector.shape_cast %broadcast_in_dim3A_3 : vector<16xf32> to vector<1x16xf32>
      tpu.vector_store %arg5[%swap3A, %swap3A_31], %swap3A_34 {strides = array<i32>} : memref<128x16xf32, #tpu.memory_space<vmem>>, vector<1x16xf32>,
    }
    %scan3A_10 = arith.constant 128 : i32
    %scan3A_11 = arith.constant 0 : i32
    %scan3A_12 = arith.constant 0 : i32
    %scan3A_13 = arith.constant 632 : i32
    %scan3A_14 = arith.addi %scan3A_12, %scan3A_13 : i32
    %scan3A_15 = arith.constant 1 : i32
    scf.for %scan3A_30 = %scan3A_12 to %scan3A_14 step %scan3A_15  : i32 {
      %swap3A = arith.index_cast %scan3A_30 : i32 to index
      %swap3A_31 = arith.constant 0 : index
      %swap3A_32 = tpu.vector_load %arg6[%swap3A, %swap3A_31] {strides = array<i32>} : memref<632x16xf32, #tpu.memory_space<vmem>>, vector<1x16xf32>,
      %swap3A_33 = vector.shape_cast %swap3A_32 : vector<1x16xf32> to vector<16xf32>
      %swap3A_34 = vector.shape_cast %broadcast_in_dim3A_5 : vector<16xf32> to vector<1x16xf32>
      tpu.vector_store %arg6[%swap3A, %swap3A_31], %swap3A_34 {strides = array<i32>} : memref<632x16xf32, #tpu.memory_space<vmem>>, vector<1x16xf32>,
    }
    %scan3A_16 = arith.constant 632 : i32
    "tpu.region"() ({
      %run_scoped3A = tpu.sem_alloc : memref<!tpu.dma_semaphore, #tpu.memory_space<semaphore_mem>>
      %dma_start3A = arith.constant 0 : i32
      %dma_start3A_30 = tpu.memref_slice %arg7[%mul3A_2, %dma_start3A] : memref<10112x16xf32, #tpu.memory_space<vmem_shared>> -> memref<632x16xf32, #tpu.memory_space<vmem_shared>>
      %dma_start3A_31 = arith.constant 0 : i32
      %dma_start3A_32 = tpu.memref_slice %arg7[%mul3A_2, %dma_start3A_31] : memref<10112x16xf32, #tpu.memory_space<vmem_shared>> -> memref<632x16xf32, #tpu.memory_space<vmem_shared>>
      tpu.enqueue_dma source(%arg6 : memref<632x16xf32, #tpu.memory_space<vmem>>) target(%dma_start3A_32 : memref<632x16xf32, #tpu.memory_space<vmem_shared>>) target_semaphore(%run_scoped3A : memref<!tpu.dma_semaphore, #tpu.memory_space<semaphore_mem>>)
      %dma_wait3A = arith.constant 0 : i32
      %dma_wait3A_33 = tpu.memref_slice %arg7[%mul3A_2, %dma_wait3A] : memref<10112x16xf32, #tpu.memory_space<vmem_shared>> -> memref<632x16xf32, #tpu.memory_space<vmem_shared>>
      %dma_wait3A_34 = arith.constant 0 : i32
      %dma_wait3A_35 = tpu.memref_slice %arg7[%mul3A_2, %dma_wait3A_34] : memref<10112x16xf32, #tpu.memory_space<vmem_shared>> -> memref<632x16xf32, #tpu.memory_space<vmem_shared>>
      tpu.wait_dma2 semaphore(%run_scoped3A : memref<!tpu.dma_semaphore, #tpu.memory_space<semaphore_mem>>) src(%arg6 : memref<632x16xf32, #tpu.memory_space<vmem>>) dst(%dma_wait3A_35 : memref<632x16xf32, #tpu.memory_space<vmem_shared>>)
      tpu.yield
    }) : () -> ()
    "tpu.region"() ({
      %run_scoped3A = tpu.sem_alloc : memref<!tpu.dma_semaphore, #tpu.memory_space<semaphore_mem>>
      %dma_start3A = arith.constant 0 : i32
      %dma_start3A_30 = arith.constant 0 : i32
      %dma_start3A_31 = tpu.memref_slice %arg2[%add3A, %dma_start3A, %dma_start3A_30] : memref<32x40x128xi32, #tpu.memory_space<hbm>> -> memref<1x40x128xi32, #tpu.memory_space<hbm>>
      %dma_start3A_32 = tpu.memref_squeeze %dma_start3A_31 : memref<1x40x128xi32, #tpu.memory_space<hbm>> -> memref<40x128xi32, #tpu.memory_space<hbm>>
      %dma_start3A_33 = arith.constant 0 : i32
      %dma_start3A_34 = arith.constant 0 : i32
      %dma_start3A_35 = tpu.memref_slice %arg2[%add3A, %dma_start3A_33, %dma_start3A_34] : memref<32x40x128xi32, #tpu.memory_space<hbm>> -> memref<1x40x128xi32, #tpu.memory_space<hbm>>
      %dma_start3A_36 = tpu.memref_squeeze %dma_start3A_35 : memref<1x40x128xi32, #tpu.memory_space<hbm>> -> memref<40x128xi32, #tpu.memory_space<hbm>>
      tpu.enqueue_dma source(%dma_start3A_36 : memref<40x128xi32, #tpu.memory_space<hbm>>) target(%arg4 : memref<40x128xi32, #tpu.memory_space<vmem>>) target_semaphore(%run_scoped3A : memref<!tpu.dma_semaphore, #tpu.memory_space<semaphore_mem>>)
      %dma_wait3A = arith.constant 0 : i32
      %dma_wait3A_37 = arith.constant 0 : i32
      %dma_wait3A_38 = tpu.memref_slice %arg2[%add3A, %dma_wait3A, %dma_wait3A_37] : memref<32x40x128xi32, #tpu.memory_space<hbm>> -> memref<1x40x128xi32, #tpu.memory_space<hbm>>
      %dma_wait3A_39 = tpu.memref_squeeze %dma_wait3A_38 : memref<1x40x128xi32, #tpu.memory_space<hbm>> -> memref<40x128xi32, #tpu.memory_space<hbm>>
      %dma_wait3A_40 = arith.constant 0 : i32
      %dma_wait3A_41 = arith.constant 0 : i32
      %dma_wait3A_42 = tpu.memref_slice %arg2[%add3A, %dma_wait3A_40, %dma_wait3A_41] : memref<32x40x128xi32, #tpu.memory_space<hbm>> -> memref<1x40x128xi32, #tpu.memory_space<hbm>>
      %dma_wait3A_43 = tpu.memref_squeeze %dma_wait3A_42 : memref<1x40x128xi32, #tpu.memory_space<hbm>> -> memref<40x128xi32, #tpu.memory_space<hbm>>
      tpu.wait_dma2 semaphore(%run_scoped3A : memref<!tpu.dma_semaphore, #tpu.memory_space<semaphore_mem>>) src(%dma_wait3A_43 : memref<40x128xi32, #tpu.memory_space<hbm>>) dst(%arg4 : memref<40x128xi32, #tpu.memory_space<vmem>>)
      tpu.yield
    }) : () -> ()
    %barrier3A = arith.constant 0 : index
    tpu.barrier barrier_id(%barrier3A)
    %scan3A_17 = arith.constant 0 : i32
    %scan3A_18 = arith.constant 0 : i32
    %scan3A_19 = arith.constant 40 : i32
    %scan3A_20 = arith.addi %scan3A_18, %scan3A_19 : i32
    %scan3A_21 = arith.constant 1 : i32
    scf.for %scan3A_30 = %scan3A_18 to %scan3A_20 step %scan3A_21  : i32 {
      %dma_start3A = arith.constant 0 : i32
      %dma_start3A_31 = tpu.memref_slice %arg4[%scan3A_30, %dma_start3A] : memref<40x128xi32, #tpu.memory_space<vmem>> -> memref<1x128xi32, #tpu.memory_space<vmem>>
      %dma_start3A_32 = tpu.memref_squeeze %dma_start3A_31 : memref<1x128xi32, #tpu.memory_space<vmem>> -> memref<128xi32, #tpu.memory_space<vmem>>
      %dma_start3A_33 = arith.constant 0 : i32
      %dma_start3A_34 = arith.constant 0 : i32
      %dma_start3A_35 = tpu.memref_slice %arg7[%dma_start3A_33, %dma_start3A_34] : memref<10112x16xf32, #tpu.memory_space<vmem_shared>> -> memref<10112x16xf32, #tpu.memory_space<vmem_shared>>
      tpu.enqueue_indirect_dma source(%arg5 : memref<128x16xf32, #tpu.memory_space<vmem>>) target(%dma_start3A_35 : memref<10112x16xf32, #tpu.memory_space<vmem_shared>>) offsets(%dma_start3A_32 : memref<128xi32, #tpu.memory_space<vmem>>) semaphore(%arg8 : memref<!tpu.dma_semaphore, #tpu.memory_space<semaphore_mem>>) {add = true}
    }
    %scan3A_22 = arith.constant 40 : i32
    %scan3A_23 = arith.constant 0 : i32
    %scan3A_24 = arith.constant 0 : i32
    %scan3A_25 = arith.constant 40 : i32
    %scan3A_26 = arith.addi %scan3A_24, %scan3A_25 : i32
    %scan3A_27 = arith.constant 1 : i32
    scf.for %scan3A_30 = %scan3A_24 to %scan3A_26 step %scan3A_27  : i32 {
      %dma_wait3A = arith.constant 0 : i32
      %dma_wait3A_31 = arith.constant 0 : i32
      %dma_wait3A_32 = tpu.memref_slice %arg7[%dma_wait3A, %dma_wait3A_31] : memref<10112x16xf32, #tpu.memory_space<vmem_shared>> -> memref<128x16xf32, #tpu.memory_space<vmem_shared>>
      %dma_wait3A_33 = arith.constant 0 : i32
      %dma_wait3A_34 = arith.constant 0 : i32
      %dma_wait3A_35 = tpu.memref_slice %arg7[%dma_wait3A_33, %dma_wait3A_34] : memref<10112x16xf32, #tpu.memory_space<vmem_shared>> -> memref<128x16xf32, #tpu.memory_space<vmem_shared>>
      tpu.wait_dma2 semaphore(%arg8 : memref<!tpu.dma_semaphore, #tpu.memory_space<semaphore_mem>>) src(%arg5 : memref<128x16xf32, #tpu.memory_space<vmem>>) dst(%dma_wait3A_35 : memref<128x16xf32, #tpu.memory_space<vmem_shared>>)
    }
    %scan3A_28 = arith.constant 40 : i32
    %barrier3A_29 = arith.constant 0 : index
    tpu.barrier barrier_id(%barrier3A_29)
    "tpu.region"() ({
      %run_scoped3A = tpu.sem_alloc : memref<!tpu.dma_semaphore, #tpu.memory_space<semaphore_mem>>
      %dma_start3A = arith.constant 0 : i32
      %dma_start3A_30 = tpu.memref_slice %arg3[%arg0, %mul3A_2, %dma_start3A] : memref<2x10112x16xf32, #tpu.memory_space<hbm>> -> memref<1x632x16xf32, #tpu.memory_space<hbm>>
      %dma_start3A_31 = tpu.memref_squeeze %dma_start3A_30 : memref<1x632x16xf32, #tpu.memory_space<hbm>> -> memref<632x16xf32, #tpu.memory_space<hbm>>
      %dma_start3A_32 = arith.constant 0 : i32
      %dma_start3A_33 = tpu.memref_slice %arg7[%mul3A_2, %dma_start3A_32] : memref<10112x16xf32, #tpu.memory_space<vmem_shared>> -> memref<632x16xf32, #tpu.memory_space<vmem_shared>>
      tpu.enqueue_dma source(%dma_start3A_33 : memref<632x16xf32, #tpu.memory_space<vmem_shared>>) target(%dma_start3A_31 : memref<632x16xf32, #tpu.memory_space<hbm>>) target_semaphore(%run_scoped3A : memref<!tpu.dma_semaphore, #tpu.memory_space<semaphore_mem>>)
      %dma_wait3A = arith.constant 0 : i32
      %dma_wait3A_34 = tpu.memref_slice %arg3[%arg0, %mul3A_2, %dma_wait3A] : memref<2x10112x16xf32, #tpu.memory_space<hbm>> -> memref<1x632x16xf32, #tpu.memory_space<hbm>>
      %dma_wait3A_35 = tpu.memref_squeeze %dma_wait3A_34 : memref<1x632x16xf32, #tpu.memory_space<hbm>> -> memref<632x16xf32, #tpu.memory_space<hbm>>
      %dma_wait3A_36 = arith.constant 0 : i32
      %dma_wait3A_37 = tpu.memref_slice %arg7[%mul3A_2, %dma_wait3A_36] : memref<10112x16xf32, #tpu.memory_space<vmem_shared>> -> memref<632x16xf32, #tpu.memory_space<vmem_shared>>
      tpu.wait_dma2 semaphore(%run_scoped3A : memref<!tpu.dma_semaphore, #tpu.memory_space<semaphore_mem>>) src(%dma_wait3A_37 : memref<632x16xf32, #tpu.memory_space<vmem_shared>>) dst(%dma_wait3A_35 : memref<632x16xf32, #tpu.memory_space<hbm>>)
      tpu.yield
    }) : () -> ()
    return
  }
}

#map = affine_map<(d0, d1) -> (0, 0)>
#map1 = affine_map<(d0, d1) -> (0, 0, 0)>
module attributes {stable_mosaic.version = 14 : i64} {
  func.func @_prop(%arg0: i32, %arg1: i32, %arg2: memref<10112x32xf32, #tpu.memory_space<hbm>>, %arg3: memref<32x40x128xi32, #tpu.memory_space<hbm>>, %arg4: memref<32x40x128xi32, #tpu.memory_space<hbm>>, %arg5: memref<2x10112x32xf32, #tpu.memory_space<hbm>>, %arg6: memref<40x128xi32, #tpu.memory_space<vmem>>, %arg7: memref<40x128xi32, #tpu.memory_space<vmem>>, %arg8: memref<128x32xf32, #tpu.memory_space<vmem>>, %arg9: memref<128x32xf32, #tpu.memory_space<vmem>>, %arg10: memref<128x32xf32, #tpu.memory_space<vmem>>, %arg11: memref<128x32xf32, #tpu.memory_space<vmem>>, %arg12: memref<10112x32xf32, #tpu.memory_space<vmem_shared>>, %arg13: memref<!tpu.dma_semaphore, #tpu.memory_space<semaphore_mem>>, %arg14: memref<!tpu.dma_semaphore, #tpu.memory_space<semaphore_mem>>, %arg15: memref<!tpu.dma_semaphore, #tpu.memory_space<semaphore_mem>>, %arg16: memref<!tpu.dma_semaphore, #tpu.memory_space<semaphore_mem>>, %arg17: memref<!tpu.dma_semaphore, #tpu.memory_space<semaphore_mem>>, %arg18: memref<!tpu.dma_semaphore, #tpu.memory_space<semaphore_mem>>, %arg19: memref<!tpu.dma_semaphore, #tpu.memory_space<semaphore_mem>>, %arg20: memref<!tpu.dma_semaphore, #tpu.memory_space<semaphore_mem>>) attributes {dimension_semantics = [#tpu.dimension_semantics<core_parallel>, #tpu.dimension_semantics<subcore_parallel>], iteration_bounds = array<i64: 2, 16>, scalar_prefetch = 0 : i64, scratch_operands = 15 : i64, tpu.core_type = #tpu.core_type<sc_vector_subcore>, window_params = [{transform_indices = #map}, {transform_indices = #map1}, {transform_indices = #map1}, {transform_indices = #map1}]} {
    %mul3A = arith.constant 16 : i32
    %mul3A_0 = arith.muli %arg0, %mul3A : i32
    %add3A = arith.addi %mul3A_0, %arg1 : i32
    %mul3A_1 = arith.constant 632 : i32
    %mul3A_2 = arith.muli %arg1, %mul3A_1 : i32
    "tpu.region"() ({
      %run_scoped3A = tpu.sem_alloc : memref<!tpu.dma_semaphore, #tpu.memory_space<semaphore_mem>>
      %dma_start3A_45 = arith.constant 0 : i32
      %dma_start3A_46 = tpu.memref_slice %arg12[%mul3A_2, %dma_start3A_45] : memref<10112x32xf32, #tpu.memory_space<vmem_shared>> -> memref<632x32xf32, #tpu.memory_space<vmem_shared>>
      %dma_start3A_47 = arith.constant 0 : i32
      %dma_start3A_48 = tpu.memref_slice %arg2[%mul3A_2, %dma_start3A_47] : memref<10112x32xf32, #tpu.memory_space<hbm>> -> memref<632x32xf32, #tpu.memory_space<hbm>>
      tpu.enqueue_dma source(%dma_start3A_48 : memref<632x32xf32, #tpu.memory_space<hbm>>) target(%dma_start3A_46 : memref<632x32xf32, #tpu.memory_space<vmem_shared>>) target_semaphore(%run_scoped3A : memref<!tpu.dma_semaphore, #tpu.memory_space<semaphore_mem>>)
      %dma_wait3A_49 = arith.constant 0 : i32
      %dma_wait3A_50 = tpu.memref_slice %arg12[%mul3A_2, %dma_wait3A_49] : memref<10112x32xf32, #tpu.memory_space<vmem_shared>> -> memref<632x32xf32, #tpu.memory_space<vmem_shared>>
      %dma_wait3A_51 = arith.constant 0 : i32
      %dma_wait3A_52 = tpu.memref_slice %arg2[%mul3A_2, %dma_wait3A_51] : memref<10112x32xf32, #tpu.memory_space<hbm>> -> memref<632x32xf32, #tpu.memory_space<hbm>>
      tpu.wait_dma2 semaphore(%run_scoped3A : memref<!tpu.dma_semaphore, #tpu.memory_space<semaphore_mem>>) src(%dma_wait3A_52 : memref<632x32xf32, #tpu.memory_space<hbm>>) dst(%dma_wait3A_50 : memref<632x32xf32, #tpu.memory_space<vmem_shared>>)
      tpu.yield
    }) : () -> ()
    "tpu.region"() ({
      %run_scoped3A = tpu.sem_alloc : memref<!tpu.dma_semaphore, #tpu.memory_space<semaphore_mem>>
      %dma_start3A_45 = arith.constant 0 : i32
      %dma_start3A_46 = arith.constant 0 : i32
      %dma_start3A_47 = tpu.memref_slice %arg3[%add3A, %dma_start3A_45, %dma_start3A_46] : memref<32x40x128xi32, #tpu.memory_space<hbm>> -> memref<1x40x128xi32, #tpu.memory_space<hbm>>
      %dma_start3A_48 = tpu.memref_squeeze %dma_start3A_47 : memref<1x40x128xi32, #tpu.memory_space<hbm>> -> memref<40x128xi32, #tpu.memory_space<hbm>>
      %dma_start3A_49 = arith.constant 0 : i32
      %dma_start3A_50 = arith.constant 0 : i32
      %dma_start3A_51 = tpu.memref_slice %arg3[%add3A, %dma_start3A_49, %dma_start3A_50] : memref<32x40x128xi32, #tpu.memory_space<hbm>> -> memref<1x40x128xi32, #tpu.memory_space<hbm>>
      %dma_start3A_52 = tpu.memref_squeeze %dma_start3A_51 : memref<1x40x128xi32, #tpu.memory_space<hbm>> -> memref<40x128xi32, #tpu.memory_space<hbm>>
      tpu.enqueue_dma source(%dma_start3A_52 : memref<40x128xi32, #tpu.memory_space<hbm>>) target(%arg6 : memref<40x128xi32, #tpu.memory_space<vmem>>) target_semaphore(%run_scoped3A : memref<!tpu.dma_semaphore, #tpu.memory_space<semaphore_mem>>)
      %dma_wait3A_53 = arith.constant 0 : i32
      %dma_wait3A_54 = arith.constant 0 : i32
      %dma_wait3A_55 = tpu.memref_slice %arg3[%add3A, %dma_wait3A_53, %dma_wait3A_54] : memref<32x40x128xi32, #tpu.memory_space<hbm>> -> memref<1x40x128xi32, #tpu.memory_space<hbm>>
      %dma_wait3A_56 = tpu.memref_squeeze %dma_wait3A_55 : memref<1x40x128xi32, #tpu.memory_space<hbm>> -> memref<40x128xi32, #tpu.memory_space<hbm>>
      %dma_wait3A_57 = arith.constant 0 : i32
      %dma_wait3A_58 = arith.constant 0 : i32
      %dma_wait3A_59 = tpu.memref_slice %arg3[%add3A, %dma_wait3A_57, %dma_wait3A_58] : memref<32x40x128xi32, #tpu.memory_space<hbm>> -> memref<1x40x128xi32, #tpu.memory_space<hbm>>
      %dma_wait3A_60 = tpu.memref_squeeze %dma_wait3A_59 : memref<1x40x128xi32, #tpu.memory_space<hbm>> -> memref<40x128xi32, #tpu.memory_space<hbm>>
      tpu.wait_dma2 semaphore(%run_scoped3A : memref<!tpu.dma_semaphore, #tpu.memory_space<semaphore_mem>>) src(%dma_wait3A_60 : memref<40x128xi32, #tpu.memory_space<hbm>>) dst(%arg6 : memref<40x128xi32, #tpu.memory_space<vmem>>)
      tpu.yield
    }) : () -> ()
    "tpu.region"() ({
      %run_scoped3A = tpu.sem_alloc : memref<!tpu.dma_semaphore, #tpu.memory_space<semaphore_mem>>
      %dma_start3A_45 = arith.constant 0 : i32
      %dma_start3A_46 = arith.constant 0 : i32
      %dma_start3A_47 = tpu.memref_slice %arg4[%add3A, %dma_start3A_45, %dma_start3A_46] : memref<32x40x128xi32, #tpu.memory_space<hbm>> -> memref<1x40x128xi32, #tpu.memory_space<hbm>>
      %dma_start3A_48 = tpu.memref_squeeze %dma_start3A_47 : memref<1x40x128xi32, #tpu.memory_space<hbm>> -> memref<40x128xi32, #tpu.memory_space<hbm>>
      %dma_start3A_49 = arith.constant 0 : i32
      %dma_start3A_50 = arith.constant 0 : i32
      %dma_start3A_51 = tpu.memref_slice %arg4[%add3A, %dma_start3A_49, %dma_start3A_50] : memref<32x40x128xi32, #tpu.memory_space<hbm>> -> memref<1x40x128xi32, #tpu.memory_space<hbm>>
      %dma_start3A_52 = tpu.memref_squeeze %dma_start3A_51 : memref<1x40x128xi32, #tpu.memory_space<hbm>> -> memref<40x128xi32, #tpu.memory_space<hbm>>
      tpu.enqueue_dma source(%dma_start3A_52 : memref<40x128xi32, #tpu.memory_space<hbm>>) target(%arg7 : memref<40x128xi32, #tpu.memory_space<vmem>>) target_semaphore(%run_scoped3A : memref<!tpu.dma_semaphore, #tpu.memory_space<semaphore_mem>>)
      %dma_wait3A_53 = arith.constant 0 : i32
      %dma_wait3A_54 = arith.constant 0 : i32
      %dma_wait3A_55 = tpu.memref_slice %arg4[%add3A, %dma_wait3A_53, %dma_wait3A_54] : memref<32x40x128xi32, #tpu.memory_space<hbm>> -> memref<1x40x128xi32, #tpu.memory_space<hbm>>
      %dma_wait3A_56 = tpu.memref_squeeze %dma_wait3A_55 : memref<1x40x128xi32, #tpu.memory_space<hbm>> -> memref<40x128xi32, #tpu.memory_space<hbm>>
      %dma_wait3A_57 = arith.constant 0 : i32
      %dma_wait3A_58 = arith.constant 0 : i32
      %dma_wait3A_59 = tpu.memref_slice %arg4[%add3A, %dma_wait3A_57, %dma_wait3A_58] : memref<32x40x128xi32, #tpu.memory_space<hbm>> -> memref<1x40x128xi32, #tpu.memory_space<hbm>>
      %dma_wait3A_60 = tpu.memref_squeeze %dma_wait3A_59 : memref<1x40x128xi32, #tpu.memory_space<hbm>> -> memref<40x128xi32, #tpu.memory_space<hbm>>
      tpu.wait_dma2 semaphore(%run_scoped3A : memref<!tpu.dma_semaphore, #tpu.memory_space<semaphore_mem>>) src(%dma_wait3A_60 : memref<40x128xi32, #tpu.memory_space<hbm>>) dst(%arg7 : memref<40x128xi32, #tpu.memory_space<vmem>>)
      tpu.yield
    }) : () -> ()
    %barrier3A = arith.constant 0 : index
    tpu.barrier barrier_id(%barrier3A)
    %dma_start3A = arith.constant 0 : i32
    %dma_start3A_3 = arith.constant 0 : i32
    %dma_start3A_4 = tpu.memref_slice %arg6[%dma_start3A, %dma_start3A_3] : memref<40x128xi32, #tpu.memory_space<vmem>> -> memref<1x128xi32, #tpu.memory_space<vmem>>
    %dma_start3A_5 = tpu.memref_squeeze %dma_start3A_4 : memref<1x128xi32, #tpu.memory_space<vmem>> -> memref<128xi32, #tpu.memory_space<vmem>>
    %dma_start3A_6 = arith.constant 0 : i32
    %dma_start3A_7 = arith.constant 0 : i32
    %dma_start3A_8 = tpu.memref_slice %arg2[%dma_start3A_6, %dma_start3A_7] : memref<10112x32xf32, #tpu.memory_space<hbm>> -> memref<10112x32xf32, #tpu.memory_space<hbm>>
    tpu.enqueue_indirect_dma source(%dma_start3A_8 : memref<10112x32xf32, #tpu.memory_space<hbm>>) target(%arg8 : memref<128x32xf32, #tpu.memory_space<vmem>>) offsets(%dma_start3A_5 : memref<128xi32, #tpu.memory_space<vmem>>) semaphore(%arg13 : memref<!tpu.dma_semaphore, #tpu.memory_space<semaphore_mem>>)
    %dma_start3A_9 = arith.constant 1 : i32
    %dma_start3A_10 = arith.constant 0 : i32
    %dma_start3A_11 = tpu.memref_slice %arg6[%dma_start3A_9, %dma_start3A_10] : memref<40x128xi32, #tpu.memory_space<vmem>> -> memref<1x128xi32, #tpu.memory_space<vmem>>
    %dma_start3A_12 = tpu.memref_squeeze %dma_start3A_11 : memref<1x128xi32, #tpu.memory_space<vmem>> -> memref<128xi32, #tpu.memory_space<vmem>>
    %dma_start3A_13 = arith.constant 0 : i32
    %dma_start3A_14 = arith.constant 0 : i32
    %dma_start3A_15 = tpu.memref_slice %arg2[%dma_start3A_13, %dma_start3A_14] : memref<10112x32xf32, #tpu.memory_space<hbm>> -> memref<10112x32xf32, #tpu.memory_space<hbm>>
    tpu.enqueue_indirect_dma source(%dma_start3A_15 : memref<10112x32xf32, #tpu.memory_space<hbm>>) target(%arg9 : memref<128x32xf32, #tpu.memory_space<vmem>>) offsets(%dma_start3A_12 : memref<128xi32, #tpu.memory_space<vmem>>) semaphore(%arg14 : memref<!tpu.dma_semaphore, #tpu.memory_space<semaphore_mem>>)
    %scan3A = arith.constant 0 : i32
    %scan3A_16 = arith.constant 0 : i32
    %scan3A_17 = arith.constant 10 : i32
    %scan3A_18 = arith.addi %scan3A_16, %scan3A_17 : i32
    %scan3A_19 = arith.constant 1 : i32
    scf.for %scan3A_45 = %scan3A_16 to %scan3A_18 step %scan3A_19  : i32 {
      %mul3A_46 = arith.constant 4 : i32
      %mul3A_47 = arith.muli %scan3A_45, %mul3A_46 : i32
      %dma_wait3A_48 = arith.constant 0 : i32
      %dma_wait3A_49 = arith.constant 0 : i32
      %dma_wait3A_50 = tpu.memref_slice %arg2[%dma_wait3A_48, %dma_wait3A_49] : memref<10112x32xf32, #tpu.memory_space<hbm>> -> memref<128x32xf32, #tpu.memory_space<hbm>>
      %dma_wait3A_51 = arith.constant 0 : i32
      %dma_wait3A_52 = arith.constant 0 : i32
      %dma_wait3A_53 = tpu.memref_slice %arg2[%dma_wait3A_51, %dma_wait3A_52] : memref<10112x32xf32, #tpu.memory_space<hbm>> -> memref<128x32xf32, #tpu.memory_space<hbm>>
      tpu.wait_dma2 semaphore(%arg13 : memref<!tpu.dma_semaphore, #tpu.memory_space<semaphore_mem>>) src(%dma_wait3A_53 : memref<128x32xf32, #tpu.memory_space<hbm>>) dst(%arg8 : memref<128x32xf32, #tpu.memory_space<vmem>>)
      %add3A_54 = arith.constant 0 : i32
      %add3A_55 = arith.addi %mul3A_47, %add3A_54 : i32
      %dma_start3A_56 = arith.constant 0 : i32
      %dma_start3A_57 = tpu.memref_slice %arg7[%add3A_55, %dma_start3A_56] : memref<40x128xi32, #tpu.memory_space<vmem>> -> memref<1x128xi32, #tpu.memory_space<vmem>>
      %dma_start3A_58 = tpu.memref_squeeze %dma_start3A_57 : memref<1x128xi32, #tpu.memory_space<vmem>> -> memref<128xi32, #tpu.memory_space<vmem>>
      %dma_start3A_59 = arith.constant 0 : i32
      %dma_start3A_60 = arith.constant 0 : i32
      %dma_start3A_61 = tpu.memref_slice %arg12[%dma_start3A_59, %dma_start3A_60] : memref<10112x32xf32, #tpu.memory_space<vmem_shared>> -> memref<10112x32xf32, #tpu.memory_space<vmem_shared>>
      tpu.enqueue_indirect_dma source(%arg8 : memref<128x32xf32, #tpu.memory_space<vmem>>) target(%dma_start3A_61 : memref<10112x32xf32, #tpu.memory_space<vmem_shared>>) offsets(%dma_start3A_58 : memref<128xi32, #tpu.memory_space<vmem>>) semaphore(%arg17 : memref<!tpu.dma_semaphore, #tpu.memory_space<semaphore_mem>>) {add = true}
      %add3A_62 = arith.constant 0 : i32
      %add3A_63 = arith.addi %mul3A_47, %add3A_62 : i32
      %add3A_64 = arith.constant 2 : i32
      %add3A_65 = arith.addi %add3A_63, %add3A_64 : i32
      %lt3A = arith.constant 40 : i32
      %lt3A_66 = arith.cmpi slt, %add3A_65, %lt3A : i32
      %convert_element_type3A = arith.extui %lt3A_66 : i1 to i32
      %cond3A = arith.constant 0 : i32
      %cond3A_67 = arith.cmpi ne, %convert_element_type3A, %cond3A : i32
      scf.if %cond3A_67 {
        %add3A_137 = arith.constant 0 : i32
        %add3A_138 = arith.addi %mul3A_47, %add3A_137 : i32
        %ge3A = arith.constant 2 : i32
        %ge3A_139 = arith.cmpi sge, %add3A_138, %ge3A : i32
        %convert_element_type3A_140 = arith.extui %ge3A_139 : i1 to i32
        %cond3A_141 = arith.constant 0 : i32
        %cond3A_142 = arith.cmpi ne, %convert_element_type3A_140, %cond3A_141 : i32
        scf.if %cond3A_142 {
          %dma_wait3A_153 = arith.constant 0 : i32
          %dma_wait3A_154 = arith.constant 0 : i32
          %dma_wait3A_155 = tpu.memref_slice %arg12[%dma_wait3A_153, %dma_wait3A_154] : memref<10112x32xf32, #tpu.memory_space<vmem_shared>> -> memref<128x32xf32, #tpu.memory_space<vmem_shared>>
          %dma_wait3A_156 = arith.constant 0 : i32
          %dma_wait3A_157 = arith.constant 0 : i32
          %dma_wait3A_158 = tpu.memref_slice %arg12[%dma_wait3A_156, %dma_wait3A_157] : memref<10112x32xf32, #tpu.memory_space<vmem_shared>> -> memref<128x32xf32, #tpu.memory_space<vmem_shared>>
          tpu.wait_dma2 semaphore(%arg19 : memref<!tpu.dma_semaphore, #tpu.memory_space<semaphore_mem>>) src(%arg10 : memref<128x32xf32, #tpu.memory_space<vmem>>) dst(%dma_wait3A_158 : memref<128x32xf32, #tpu.memory_space<vmem_shared>>)
        } else {
        }
        %add3A_143 = arith.constant 0 : i32
        %add3A_144 = arith.addi %mul3A_47, %add3A_143 : i32
        %add3A_145 = arith.constant 2 : i32
        %add3A_146 = arith.addi %add3A_144, %add3A_145 : i32
        %dma_start3A_147 = arith.constant 0 : i32
        %dma_start3A_148 = tpu.memref_slice %arg6[%add3A_146, %dma_start3A_147] : memref<40x128xi32, #tpu.memory_space<vmem>> -> memref<1x128xi32, #tpu.memory_space<vmem>>
        %dma_start3A_149 = tpu.memref_squeeze %dma_start3A_148 : memref<1x128xi32, #tpu.memory_space<vmem>> -> memref<128xi32, #tpu.memory_space<vmem>>
        %dma_start3A_150 = arith.constant 0 : i32
        %dma_start3A_151 = arith.constant 0 : i32
        %dma_start3A_152 = tpu.memref_slice %arg2[%dma_start3A_150, %dma_start3A_151] : memref<10112x32xf32, #tpu.memory_space<hbm>> -> memref<10112x32xf32, #tpu.memory_space<hbm>>
        tpu.enqueue_indirect_dma source(%dma_start3A_152 : memref<10112x32xf32, #tpu.memory_space<hbm>>) target(%arg10 : memref<128x32xf32, #tpu.memory_space<vmem>>) offsets(%dma_start3A_149 : memref<128xi32, #tpu.memory_space<vmem>>) semaphore(%arg15 : memref<!tpu.dma_semaphore, #tpu.memory_space<semaphore_mem>>)
      } else {
      }
      %dma_wait3A_68 = arith.constant 0 : i32
      %dma_wait3A_69 = arith.constant 0 : i32
      %dma_wait3A_70 = tpu.memref_slice %arg2[%dma_wait3A_68, %dma_wait3A_69] : memref<10112x32xf32, #tpu.memory_space<hbm>> -> memref<128x32xf32, #tpu.memory_space<hbm>>
      %dma_wait3A_71 = arith.constant 0 : i32
      %dma_wait3A_72 = arith.constant 0 : i32
      %dma_wait3A_73 = tpu.memref_slice %arg2[%dma_wait3A_71, %dma_wait3A_72] : memref<10112x32xf32, #tpu.memory_space<hbm>> -> memref<128x32xf32, #tpu.memory_space<hbm>>
      tpu.wait_dma2 semaphore(%arg14 : memref<!tpu.dma_semaphore, #tpu.memory_space<semaphore_mem>>) src(%dma_wait3A_73 : memref<128x32xf32, #tpu.memory_space<hbm>>) dst(%arg9 : memref<128x32xf32, #tpu.memory_space<vmem>>)
      %add3A_74 = arith.constant 1 : i32
      %add3A_75 = arith.addi %mul3A_47, %add3A_74 : i32
      %dma_start3A_76 = arith.constant 0 : i32
      %dma_start3A_77 = tpu.memref_slice %arg7[%add3A_75, %dma_start3A_76] : memref<40x128xi32, #tpu.memory_space<vmem>> -> memref<1x128xi32, #tpu.memory_space<vmem>>
      %dma_start3A_78 = tpu.memref_squeeze %dma_start3A_77 : memref<1x128xi32, #tpu.memory_space<vmem>> -> memref<128xi32, #tpu.memory_space<vmem>>
      %dma_start3A_79 = arith.constant 0 : i32
      %dma_start3A_80 = arith.constant 0 : i32
      %dma_start3A_81 = tpu.memref_slice %arg12[%dma_start3A_79, %dma_start3A_80] : memref<10112x32xf32, #tpu.memory_space<vmem_shared>> -> memref<10112x32xf32, #tpu.memory_space<vmem_shared>>
      tpu.enqueue_indirect_dma source(%arg9 : memref<128x32xf32, #tpu.memory_space<vmem>>) target(%dma_start3A_81 : memref<10112x32xf32, #tpu.memory_space<vmem_shared>>) offsets(%dma_start3A_78 : memref<128xi32, #tpu.memory_space<vmem>>) semaphore(%arg18 : memref<!tpu.dma_semaphore, #tpu.memory_space<semaphore_mem>>) {add = true}
      %add3A_82 = arith.constant 1 : i32
      %add3A_83 = arith.addi %mul3A_47, %add3A_82 : i32
      %add3A_84 = arith.constant 2 : i32
      %add3A_85 = arith.addi %add3A_83, %add3A_84 : i32
      %lt3A_86 = arith.constant 40 : i32
      %lt3A_87 = arith.cmpi slt, %add3A_85, %lt3A_86 : i32
      %convert_element_type3A_88 = arith.extui %lt3A_87 : i1 to i32
      %cond3A_89 = arith.constant 0 : i32
      %cond3A_90 = arith.cmpi ne, %convert_element_type3A_88, %cond3A_89 : i32
      scf.if %cond3A_90 {
        %add3A_137 = arith.constant 1 : i32
        %add3A_138 = arith.addi %mul3A_47, %add3A_137 : i32
        %ge3A = arith.constant 2 : i32
        %ge3A_139 = arith.cmpi sge, %add3A_138, %ge3A : i32
        %convert_element_type3A_140 = arith.extui %ge3A_139 : i1 to i32
        %cond3A_141 = arith.constant 0 : i32
        %cond3A_142 = arith.cmpi ne, %convert_element_type3A_140, %cond3A_141 : i32
        scf.if %cond3A_142 {
          %dma_wait3A_153 = arith.constant 0 : i32
          %dma_wait3A_154 = arith.constant 0 : i32
          %dma_wait3A_155 = tpu.memref_slice %arg12[%dma_wait3A_153, %dma_wait3A_154] : memref<10112x32xf32, #tpu.memory_space<vmem_shared>> -> memref<128x32xf32, #tpu.memory_space<vmem_shared>>
          %dma_wait3A_156 = arith.constant 0 : i32
          %dma_wait3A_157 = arith.constant 0 : i32
          %dma_wait3A_158 = tpu.memref_slice %arg12[%dma_wait3A_156, %dma_wait3A_157] : memref<10112x32xf32, #tpu.memory_space<vmem_shared>> -> memref<128x32xf32, #tpu.memory_space<vmem_shared>>
          tpu.wait_dma2 semaphore(%arg20 : memref<!tpu.dma_semaphore, #tpu.memory_space<semaphore_mem>>) src(%arg11 : memref<128x32xf32, #tpu.memory_space<vmem>>) dst(%dma_wait3A_158 : memref<128x32xf32, #tpu.memory_space<vmem_shared>>)
        } else {
        }
        %add3A_143 = arith.constant 1 : i32
        %add3A_144 = arith.addi %mul3A_47, %add3A_143 : i32
        %add3A_145 = arith.constant 2 : i32
        %add3A_146 = arith.addi %add3A_144, %add3A_145 : i32
        %dma_start3A_147 = arith.constant 0 : i32
        %dma_start3A_148 = tpu.memref_slice %arg6[%add3A_146, %dma_start3A_147] : memref<40x128xi32, #tpu.memory_space<vmem>> -> memref<1x128xi32, #tpu.memory_space<vmem>>
        %dma_start3A_149 = tpu.memref_squeeze %dma_start3A_148 : memref<1x128xi32, #tpu.memory_space<vmem>> -> memref<128xi32, #tpu.memory_space<vmem>>
        %dma_start3A_150 = arith.constant 0 : i32
        %dma_start3A_151 = arith.constant 0 : i32
        %dma_start3A_152 = tpu.memref_slice %arg2[%dma_start3A_150, %dma_start3A_151] : memref<10112x32xf32, #tpu.memory_space<hbm>> -> memref<10112x32xf32, #tpu.memory_space<hbm>>
        tpu.enqueue_indirect_dma source(%dma_start3A_152 : memref<10112x32xf32, #tpu.memory_space<hbm>>) target(%arg11 : memref<128x32xf32, #tpu.memory_space<vmem>>) offsets(%dma_start3A_149 : memref<128xi32, #tpu.memory_space<vmem>>) semaphore(%arg16 : memref<!tpu.dma_semaphore, #tpu.memory_space<semaphore_mem>>)
      } else {
      }
      %dma_wait3A_91 = arith.constant 0 : i32
      %dma_wait3A_92 = arith.constant 0 : i32
      %dma_wait3A_93 = tpu.memref_slice %arg2[%dma_wait3A_91, %dma_wait3A_92] : memref<10112x32xf32, #tpu.memory_space<hbm>> -> memref<128x32xf32, #tpu.memory_space<hbm>>
      %dma_wait3A_94 = arith.constant 0 : i32
      %dma_wait3A_95 = arith.constant 0 : i32
      %dma_wait3A_96 = tpu.memref_slice %arg2[%dma_wait3A_94, %dma_wait3A_95] : memref<10112x32xf32, #tpu.memory_space<hbm>> -> memref<128x32xf32, #tpu.memory_space<hbm>>
      tpu.wait_dma2 semaphore(%arg15 : memref<!tpu.dma_semaphore, #tpu.memory_space<semaphore_mem>>) src(%dma_wait3A_96 : memref<128x32xf32, #tpu.memory_space<hbm>>) dst(%arg10 : memref<128x32xf32, #tpu.memory_space<vmem>>)
      %add3A_97 = arith.constant 2 : i32
      %add3A_98 = arith.addi %mul3A_47, %add3A_97 : i32
      %dma_start3A_99 = arith.constant 0 : i32
      %dma_start3A_100 = tpu.memref_slice %arg7[%add3A_98, %dma_start3A_99] : memref<40x128xi32, #tpu.memory_space<vmem>> -> memref<1x128xi32, #tpu.memory_space<vmem>>
      %dma_start3A_101 = tpu.memref_squeeze %dma_start3A_100 : memref<1x128xi32, #tpu.memory_space<vmem>> -> memref<128xi32, #tpu.memory_space<vmem>>
      %dma_start3A_102 = arith.constant 0 : i32
      %dma_start3A_103 = arith.constant 0 : i32
      %dma_start3A_104 = tpu.memref_slice %arg12[%dma_start3A_102, %dma_start3A_103] : memref<10112x32xf32, #tpu.memory_space<vmem_shared>> -> memref<10112x32xf32, #tpu.memory_space<vmem_shared>>
      tpu.enqueue_indirect_dma source(%arg10 : memref<128x32xf32, #tpu.memory_space<vmem>>) target(%dma_start3A_104 : memref<10112x32xf32, #tpu.memory_space<vmem_shared>>) offsets(%dma_start3A_101 : memref<128xi32, #tpu.memory_space<vmem>>) semaphore(%arg19 : memref<!tpu.dma_semaphore, #tpu.memory_space<semaphore_mem>>) {add = true}
      %add3A_105 = arith.constant 2 : i32
      %add3A_106 = arith.addi %mul3A_47, %add3A_105 : i32
      %add3A_107 = arith.constant 2 : i32
      %add3A_108 = arith.addi %add3A_106, %add3A_107 : i32
      %lt3A_109 = arith.constant 40 : i32
      %lt3A_110 = arith.cmpi slt, %add3A_108, %lt3A_109 : i32
      %convert_element_type3A_111 = arith.extui %lt3A_110 : i1 to i32
      %cond3A_112 = arith.constant 0 : i32
      %cond3A_113 = arith.cmpi ne, %convert_element_type3A_111, %cond3A_112 : i32
      scf.if %cond3A_113 {
        %add3A_137 = arith.constant 2 : i32
        %add3A_138 = arith.addi %mul3A_47, %add3A_137 : i32
        %ge3A = arith.constant 2 : i32
        %ge3A_139 = arith.cmpi sge, %add3A_138, %ge3A : i32
        %convert_element_type3A_140 = arith.extui %ge3A_139 : i1 to i32
        %cond3A_141 = arith.constant 0 : i32
        %cond3A_142 = arith.cmpi ne, %convert_element_type3A_140, %cond3A_141 : i32
        scf.if %cond3A_142 {
          %dma_wait3A_153 = arith.constant 0 : i32
          %dma_wait3A_154 = arith.constant 0 : i32
          %dma_wait3A_155 = tpu.memref_slice %arg12[%dma_wait3A_153, %dma_wait3A_154] : memref<10112x32xf32, #tpu.memory_space<vmem_shared>> -> memref<128x32xf32, #tpu.memory_space<vmem_shared>>
          %dma_wait3A_156 = arith.constant 0 : i32
          %dma_wait3A_157 = arith.constant 0 : i32
          %dma_wait3A_158 = tpu.memref_slice %arg12[%dma_wait3A_156, %dma_wait3A_157] : memref<10112x32xf32, #tpu.memory_space<vmem_shared>> -> memref<128x32xf32, #tpu.memory_space<vmem_shared>>
          tpu.wait_dma2 semaphore(%arg17 : memref<!tpu.dma_semaphore, #tpu.memory_space<semaphore_mem>>) src(%arg8 : memref<128x32xf32, #tpu.memory_space<vmem>>) dst(%dma_wait3A_158 : memref<128x32xf32, #tpu.memory_space<vmem_shared>>)
        } else {
        }
        %add3A_143 = arith.constant 2 : i32
        %add3A_144 = arith.addi %mul3A_47, %add3A_143 : i32
        %add3A_145 = arith.constant 2 : i32
        %add3A_146 = arith.addi %add3A_144, %add3A_145 : i32
        %dma_start3A_147 = arith.constant 0 : i32
        %dma_start3A_148 = tpu.memref_slice %arg6[%add3A_146, %dma_start3A_147] : memref<40x128xi32, #tpu.memory_space<vmem>> -> memref<1x128xi32, #tpu.memory_space<vmem>>
        %dma_start3A_149 = tpu.memref_squeeze %dma_start3A_148 : memref<1x128xi32, #tpu.memory_space<vmem>> -> memref<128xi32, #tpu.memory_space<vmem>>
        %dma_start3A_150 = arith.constant 0 : i32
        %dma_start3A_151 = arith.constant 0 : i32
        %dma_start3A_152 = tpu.memref_slice %arg2[%dma_start3A_150, %dma_start3A_151] : memref<10112x32xf32, #tpu.memory_space<hbm>> -> memref<10112x32xf32, #tpu.memory_space<hbm>>
        tpu.enqueue_indirect_dma source(%dma_start3A_152 : memref<10112x32xf32, #tpu.memory_space<hbm>>) target(%arg8 : memref<128x32xf32, #tpu.memory_space<vmem>>) offsets(%dma_start3A_149 : memref<128xi32, #tpu.memory_space<vmem>>) semaphore(%arg13 : memref<!tpu.dma_semaphore, #tpu.memory_space<semaphore_mem>>)
      } else {
      }
      %dma_wait3A_114 = arith.constant 0 : i32
      %dma_wait3A_115 = arith.constant 0 : i32
      %dma_wait3A_116 = tpu.memref_slice %arg2[%dma_wait3A_114, %dma_wait3A_115] : memref<10112x32xf32, #tpu.memory_space<hbm>> -> memref<128x32xf32, #tpu.memory_space<hbm>>
      %dma_wait3A_117 = arith.constant 0 : i32
      %dma_wait3A_118 = arith.constant 0 : i32
      %dma_wait3A_119 = tpu.memref_slice %arg2[%dma_wait3A_117, %dma_wait3A_118] : memref<10112x32xf32, #tpu.memory_space<hbm>> -> memref<128x32xf32, #tpu.memory_space<hbm>>
      tpu.wait_dma2 semaphore(%arg16 : memref<!tpu.dma_semaphore, #tpu.memory_space<semaphore_mem>>) src(%dma_wait3A_119 : memref<128x32xf32, #tpu.memory_space<hbm>>) dst(%arg11 : memref<128x32xf32, #tpu.memory_space<vmem>>)
      %add3A_120 = arith.constant 3 : i32
      %add3A_121 = arith.addi %mul3A_47, %add3A_120 : i32
      %dma_start3A_122 = arith.constant 0 : i32
      %dma_start3A_123 = tpu.memref_slice %arg7[%add3A_121, %dma_start3A_122] : memref<40x128xi32, #tpu.memory_space<vmem>> -> memref<1x128xi32, #tpu.memory_space<vmem>>
      %dma_start3A_124 = tpu.memref_squeeze %dma_start3A_123 : memref<1x128xi32, #tpu.memory_space<vmem>> -> memref<128xi32, #tpu.memory_space<vmem>>
      %dma_start3A_125 = arith.constant 0 : i32
      %dma_start3A_126 = arith.constant 0 : i32
      %dma_start3A_127 = tpu.memref_slice %arg12[%dma_start3A_125, %dma_start3A_126] : memref<10112x32xf32, #tpu.memory_space<vmem_shared>> -> memref<10112x32xf32, #tpu.memory_space<vmem_shared>>
      tpu.enqueue_indirect_dma source(%arg11 : memref<128x32xf32, #tpu.memory_space<vmem>>) target(%dma_start3A_127 : memref<10112x32xf32, #tpu.memory_space<vmem_shared>>) offsets(%dma_start3A_124 : memref<128xi32, #tpu.memory_space<vmem>>) semaphore(%arg20 : memref<!tpu.dma_semaphore, #tpu.memory_space<semaphore_mem>>) {add = true}
      %add3A_128 = arith.constant 3 : i32
      %add3A_129 = arith.addi %mul3A_47, %add3A_128 : i32
      %add3A_130 = arith.constant 2 : i32
      %add3A_131 = arith.addi %add3A_129, %add3A_130 : i32
      %lt3A_132 = arith.constant 40 : i32
      %lt3A_133 = arith.cmpi slt, %add3A_131, %lt3A_132 : i32
      %convert_element_type3A_134 = arith.extui %lt3A_133 : i1 to i32
      %cond3A_135 = arith.constant 0 : i32
      %cond3A_136 = arith.cmpi ne, %convert_element_type3A_134, %cond3A_135 : i32
      scf.if %cond3A_136 {
        %add3A_137 = arith.constant 3 : i32
        %add3A_138 = arith.addi %mul3A_47, %add3A_137 : i32
        %ge3A = arith.constant 2 : i32
        %ge3A_139 = arith.cmpi sge, %add3A_138, %ge3A : i32
        %convert_element_type3A_140 = arith.extui %ge3A_139 : i1 to i32
        %cond3A_141 = arith.constant 0 : i32
        %cond3A_142 = arith.cmpi ne, %convert_element_type3A_140, %cond3A_141 : i32
        scf.if %cond3A_142 {
          %dma_wait3A_153 = arith.constant 0 : i32
          %dma_wait3A_154 = arith.constant 0 : i32
          %dma_wait3A_155 = tpu.memref_slice %arg12[%dma_wait3A_153, %dma_wait3A_154] : memref<10112x32xf32, #tpu.memory_space<vmem_shared>> -> memref<128x32xf32, #tpu.memory_space<vmem_shared>>
          %dma_wait3A_156 = arith.constant 0 : i32
          %dma_wait3A_157 = arith.constant 0 : i32
          %dma_wait3A_158 = tpu.memref_slice %arg12[%dma_wait3A_156, %dma_wait3A_157] : memref<10112x32xf32, #tpu.memory_space<vmem_shared>> -> memref<128x32xf32, #tpu.memory_space<vmem_shared>>
          tpu.wait_dma2 semaphore(%arg18 : memref<!tpu.dma_semaphore, #tpu.memory_space<semaphore_mem>>) src(%arg9 : memref<128x32xf32, #tpu.memory_space<vmem>>) dst(%dma_wait3A_158 : memref<128x32xf32, #tpu.memory_space<vmem_shared>>)
        } else {
        }
        %add3A_143 = arith.constant 3 : i32
        %add3A_144 = arith.addi %mul3A_47, %add3A_143 : i32
        %add3A_145 = arith.constant 2 : i32
        %add3A_146 = arith.addi %add3A_144, %add3A_145 : i32
        %dma_start3A_147 = arith.constant 0 : i32
        %dma_start3A_148 = tpu.memref_slice %arg6[%add3A_146, %dma_start3A_147] : memref<40x128xi32, #tpu.memory_space<vmem>> -> memref<1x128xi32, #tpu.memory_space<vmem>>
        %dma_start3A_149 = tpu.memref_squeeze %dma_start3A_148 : memref<1x128xi32, #tpu.memory_space<vmem>> -> memref<128xi32, #tpu.memory_space<vmem>>
        %dma_start3A_150 = arith.constant 0 : i32
        %dma_start3A_151 = arith.constant 0 : i32
        %dma_start3A_152 = tpu.memref_slice %arg2[%dma_start3A_150, %dma_start3A_151] : memref<10112x32xf32, #tpu.memory_space<hbm>> -> memref<10112x32xf32, #tpu.memory_space<hbm>>
        tpu.enqueue_indirect_dma source(%dma_start3A_152 : memref<10112x32xf32, #tpu.memory_space<hbm>>) target(%arg9 : memref<128x32xf32, #tpu.memory_space<vmem>>) offsets(%dma_start3A_149 : memref<128xi32, #tpu.memory_space<vmem>>) semaphore(%arg14 : memref<!tpu.dma_semaphore, #tpu.memory_space<semaphore_mem>>)
      } else {
      }
    }
    %scan3A_20 = arith.constant 10 : i32
    %dma_wait3A = arith.constant 0 : i32
    %dma_wait3A_21 = arith.constant 0 : i32
    %dma_wait3A_22 = tpu.memref_slice %arg12[%dma_wait3A, %dma_wait3A_21] : memref<10112x32xf32, #tpu.memory_space<vmem_shared>> -> memref<128x32xf32, #tpu.memory_space<vmem_shared>>
    %dma_wait3A_23 = arith.constant 0 : i32
    %dma_wait3A_24 = arith.constant 0 : i32
    %dma_wait3A_25 = tpu.memref_slice %arg12[%dma_wait3A_23, %dma_wait3A_24] : memref<10112x32xf32, #tpu.memory_space<vmem_shared>> -> memref<128x32xf32, #tpu.memory_space<vmem_shared>>
    tpu.wait_dma2 semaphore(%arg17 : memref<!tpu.dma_semaphore, #tpu.memory_space<semaphore_mem>>) src(%arg8 : memref<128x32xf32, #tpu.memory_space<vmem>>) dst(%dma_wait3A_25 : memref<128x32xf32, #tpu.memory_space<vmem_shared>>)
    %dma_wait3A_26 = arith.constant 0 : i32
    %dma_wait3A_27 = arith.constant 0 : i32
    %dma_wait3A_28 = tpu.memref_slice %arg12[%dma_wait3A_26, %dma_wait3A_27] : memref<10112x32xf32, #tpu.memory_space<vmem_shared>> -> memref<128x32xf32, #tpu.memory_space<vmem_shared>>
    %dma_wait3A_29 = arith.constant 0 : i32
    %dma_wait3A_30 = arith.constant 0 : i32
    %dma_wait3A_31 = tpu.memref_slice %arg12[%dma_wait3A_29, %dma_wait3A_30] : memref<10112x32xf32, #tpu.memory_space<vmem_shared>> -> memref<128x32xf32, #tpu.memory_space<vmem_shared>>
    tpu.wait_dma2 semaphore(%arg18 : memref<!tpu.dma_semaphore, #tpu.memory_space<semaphore_mem>>) src(%arg9 : memref<128x32xf32, #tpu.memory_space<vmem>>) dst(%dma_wait3A_31 : memref<128x32xf32, #tpu.memory_space<vmem_shared>>)
    %dma_wait3A_32 = arith.constant 0 : i32
    %dma_wait3A_33 = arith.constant 0 : i32
    %dma_wait3A_34 = tpu.memref_slice %arg12[%dma_wait3A_32, %dma_wait3A_33] : memref<10112x32xf32, #tpu.memory_space<vmem_shared>> -> memref<128x32xf32, #tpu.memory_space<vmem_shared>>
    %dma_wait3A_35 = arith.constant 0 : i32
    %dma_wait3A_36 = arith.constant 0 : i32
    %dma_wait3A_37 = tpu.memref_slice %arg12[%dma_wait3A_35, %dma_wait3A_36] : memref<10112x32xf32, #tpu.memory_space<vmem_shared>> -> memref<128x32xf32, #tpu.memory_space<vmem_shared>>
    tpu.wait_dma2 semaphore(%arg19 : memref<!tpu.dma_semaphore, #tpu.memory_space<semaphore_mem>>) src(%arg10 : memref<128x32xf32, #tpu.memory_space<vmem>>) dst(%dma_wait3A_37 : memref<128x32xf32, #tpu.memory_space<vmem_shared>>)
    %dma_wait3A_38 = arith.constant 0 : i32
    %dma_wait3A_39 = arith.constant 0 : i32
    %dma_wait3A_40 = tpu.memref_slice %arg12[%dma_wait3A_38, %dma_wait3A_39] : memref<10112x32xf32, #tpu.memory_space<vmem_shared>> -> memref<128x32xf32, #tpu.memory_space<vmem_shared>>
    %dma_wait3A_41 = arith.constant 0 : i32
    %dma_wait3A_42 = arith.constant 0 : i32
    %dma_wait3A_43 = tpu.memref_slice %arg12[%dma_wait3A_41, %dma_wait3A_42] : memref<10112x32xf32, #tpu.memory_space<vmem_shared>> -> memref<128x32xf32, #tpu.memory_space<vmem_shared>>
    tpu.wait_dma2 semaphore(%arg20 : memref<!tpu.dma_semaphore, #tpu.memory_space<semaphore_mem>>) src(%arg11 : memref<128x32xf32, #tpu.memory_space<vmem>>) dst(%dma_wait3A_43 : memref<128x32xf32, #tpu.memory_space<vmem_shared>>)
    %barrier3A_44 = arith.constant 0 : index
    tpu.barrier barrier_id(%barrier3A_44)
    "tpu.region"() ({
      %run_scoped3A = tpu.sem_alloc : memref<!tpu.dma_semaphore, #tpu.memory_space<semaphore_mem>>
      %dma_start3A_45 = arith.constant 0 : i32
      %dma_start3A_46 = tpu.memref_slice %arg5[%arg0, %mul3A_2, %dma_start3A_45] : memref<2x10112x32xf32, #tpu.memory_space<hbm>> -> memref<1x632x32xf32, #tpu.memory_space<hbm>>
      %dma_start3A_47 = tpu.memref_squeeze %dma_start3A_46 : memref<1x632x32xf32, #tpu.memory_space<hbm>> -> memref<632x32xf32, #tpu.memory_space<hbm>>
      %dma_start3A_48 = arith.constant 0 : i32
      %dma_start3A_49 = tpu.memref_slice %arg12[%mul3A_2, %dma_start3A_48] : memref<10112x32xf32, #tpu.memory_space<vmem_shared>> -> memref<632x32xf32, #tpu.memory_space<vmem_shared>>
      tpu.enqueue_dma source(%dma_start3A_49 : memref<632x32xf32, #tpu.memory_space<vmem_shared>>) target(%dma_start3A_47 : memref<632x32xf32, #tpu.memory_space<hbm>>) target_semaphore(%run_scoped3A : memref<!tpu.dma_semaphore, #tpu.memory_space<semaphore_mem>>)
      %dma_wait3A_50 = arith.constant 0 : i32
      %dma_wait3A_51 = tpu.memref_slice %arg5[%arg0, %mul3A_2, %dma_wait3A_50] : memref<2x10112x32xf32, #tpu.memory_space<hbm>> -> memref<1x632x32xf32, #tpu.memory_space<hbm>>
      %dma_wait3A_52 = tpu.memref_squeeze %dma_wait3A_51 : memref<1x632x32xf32, #tpu.memory_space<hbm>> -> memref<632x32xf32, #tpu.memory_space<hbm>>
      %dma_wait3A_53 = arith.constant 0 : i32
      %dma_wait3A_54 = tpu.memref_slice %arg12[%mul3A_2, %dma_wait3A_53] : memref<10112x32xf32, #tpu.memory_space<vmem_shared>> -> memref<632x32xf32, #tpu.memory_space<vmem_shared>>
      tpu.wait_dma2 semaphore(%run_scoped3A : memref<!tpu.dma_semaphore, #tpu.memory_space<semaphore_mem>>) src(%dma_wait3A_54 : memref<632x32xf32, #tpu.memory_space<vmem_shared>>) dst(%dma_wait3A_52 : memref<632x32xf32, #tpu.memory_space<hbm>>)
      tpu.yield
    }) : () -> ()
    return
  }
}

module attributes {stable_mosaic.version = 14 : i64} {
  func.func @_b1_body(%arg0: memref<10000x256xf32, #tpu.memory_space<vmem>>, %arg1: memref<256x64xf32, #tpu.memory_space<vmem>>, %arg2: memref<10112x64xf32, #tpu.memory_space<vmem>>) attributes {dimension_semantics = [], scalar_prefetch = 0 : i64, scratch_operands = 0 : i64, tpu.core_type = #tpu.core_type<tc>} {
    %get3A = arith.constant 0 : index
    %get3A_0 = arith.constant 0 : index
    %get3A_1 = vector.load %arg0[%get3A, %get3A_0] : memref<10000x256xf32, #tpu.memory_space<vmem>>, vector<10000x256xf32>
    %get3A_2 = arith.constant 0 : index
    %get3A_3 = arith.constant 0 : index
    %get3A_4 = vector.load %arg1[%get3A_2, %get3A_3] : memref<256x64xf32, #tpu.memory_space<vmem>>, vector<256x64xf32>
    %dot_general3A = arith.constant dense<0.000000e+00> : vector<10000x64xf32>
    %dot_general3A_5 = tpu.matmul %get3A_1, %get3A_4, %dot_general3A {dimension_numbers = #tpu.dot_dimension_numbers<[1], [0], [0], [1], [0, 0, 1, 1], [], []>, transpose_lhs_hint = false} : vector<10000x256xf32>, vector<256x64xf32>, vector<10000x64xf32> -> vector<10000x64xf32>
    %swap3A = arith.constant 0 : index
    %swap3A_6 = arith.constant 0 : index
    %swap3A_7 = vector.load %arg2[%swap3A, %swap3A_6] : memref<10112x64xf32, #tpu.memory_space<vmem>>, vector<10000x64xf32>
    tpu.vector_store %arg2[%swap3A, %swap3A_6], %dot_general3A_5 {strides = array<i32>} : memref<10112x64xf32, #tpu.memory_space<vmem>>, vector<10000x64xf32>,
    %broadcast_in_dim3A = arith.constant 0.000000e+00 : f32
    %broadcast_in_dim3A_8 = vector.broadcast %broadcast_in_dim3A : f32 to vector<112x64xf32>
    %swap3A_9 = arith.constant 10000 : index
    %swap3A_10 = arith.constant 0 : index
    %swap3A_11 = vector.load %arg2[%swap3A_9, %swap3A_10] : memref<10112x64xf32, #tpu.memory_space<vmem>>, vector<112x64xf32>
    tpu.vector_store %arg2[%swap3A_9, %swap3A_10], %broadcast_in_dim3A_8 {strides = array<i32>} : memref<10112x64xf32, #tpu.memory_space<vmem>>, vector<112x64xf32>,
    return
  }
}

module attributes {stable_mosaic.version = 14 : i64} {
  func.func @_b2_body(%arg0: memref<2x10112x16xf32, #tpu.memory_space<vmem>>, %arg1: memref<10112x64xf32, #tpu.memory_space<vmem>>, %arg2: memref<10112x64xf32, #tpu.memory_space<vmem>>, %arg3: memref<10112x1xf32, #tpu.memory_space<vmem>>) attributes {dimension_semantics = [], scalar_prefetch = 0 : i64, scratch_operands = 0 : i64, tpu.core_type = #tpu.core_type<tc>} {
    %get3A = arith.constant 0 : index
    %get3A_0 = arith.constant 0 : index
    %get3A_1 = arith.constant 0 : index
    %get3A_2 = vector.load %arg0[%get3A, %get3A_0, %get3A_1] : memref<2x10112x16xf32, #tpu.memory_space<vmem>>, vector<1x10112x1xf32>
    %get3A_3 = vector.shape_cast %get3A_2 : vector<1x10112x1xf32> to vector<10112x1xf32>
    %get3A_4 = arith.constant 1 : index
    %get3A_5 = arith.constant 0 : index
    %get3A_6 = arith.constant 0 : index
    %get3A_7 = vector.load %arg0[%get3A_4, %get3A_5, %get3A_6] : memref<2x10112x16xf32, #tpu.memory_space<vmem>>, vector<1x10112x1xf32>
    %get3A_8 = vector.shape_cast %get3A_7 : vector<1x10112x1xf32> to vector<10112x1xf32>
    %add3A = arith.addf %get3A_3, %get3A_8 : vector<10112x1xf32>
    %add3A_9 = arith.constant 1.000000e+00 : f32
    %add3A_10 = vector.broadcast %add3A_9 : f32 to vector<10112x1xf32>
    %add3A_11 = arith.addf %add3A, %add3A_10 : vector<10112x1xf32>
    %max3A = arith.constant 9.99999996E-13 : f32
    %max3A_12 = vector.broadcast %max3A : f32 to vector<10112x1xf32>
    %max3A_13 = arith.maximumf %add3A_11, %max3A_12 : vector<10112x1xf32>
    %rsqrt3A = math.rsqrt %max3A_13 : vector<10112x1xf32>
    %get3A_14 = arith.constant 0 : index
    %get3A_15 = arith.constant 0 : index
    %get3A_16 = vector.load %arg1[%get3A_14, %get3A_15] : memref<10112x64xf32, #tpu.memory_space<vmem>>, vector<10112x64xf32>
    %mul3A = vector.broadcast %rsqrt3A : vector<10112x1xf32> to vector<10112x64xf32>
    %mul3A_17 = arith.mulf %get3A_16, %mul3A : vector<10112x64xf32>
    %swap3A = arith.constant 0 : index
    %swap3A_18 = arith.constant 0 : index
    %swap3A_19 = vector.load %arg2[%swap3A, %swap3A_18] : memref<10112x64xf32, #tpu.memory_space<vmem>>, vector<10112x64xf32>
    tpu.vector_store %arg2[%swap3A, %swap3A_18], %mul3A_17 {strides = array<i32>} : memref<10112x64xf32, #tpu.memory_space<vmem>>, vector<10112x64xf32>,
    %swap3A_20 = arith.constant 0 : index
    %swap3A_21 = arith.constant 0 : index
    %swap3A_22 = vector.load %arg3[%swap3A_20, %swap3A_21] : memref<10112x1xf32, #tpu.memory_space<vmem>>, vector<10112x1xf32>
    tpu.vector_store %arg3[%swap3A_20, %swap3A_21], %rsqrt3A {strides = array<i32>} : memref<10112x1xf32, #tpu.memory_space<vmem>>, vector<10112x1xf32>,
    return
  }
}

module attributes {stable_mosaic.version = 14 : i64} {
  func.func @_d_body(%arg0: memref<2x10112x64xf32, #tpu.memory_space<vmem>>, %arg1: memref<10112x64xf32, #tpu.memory_space<vmem>>, %arg2: memref<10112x1xf32, #tpu.memory_space<vmem>>, %arg3: memref<1x64xf32, #tpu.memory_space<vmem>>, %arg4: memref<64x32xf32, #tpu.memory_space<vmem>>, %arg5: memref<10112x32xf32, #tpu.memory_space<vmem>>) attributes {dimension_semantics = [], scalar_prefetch = 0 : i64, scratch_operands = 0 : i64, tpu.core_type = #tpu.core_type<tc>} {
    %get3A = arith.constant 0 : index
    %get3A_0 = arith.constant 0 : index
    %get3A_1 = vector.load %arg2[%get3A, %get3A_0] : memref<10112x1xf32, #tpu.memory_space<vmem>>, vector<10112x1xf32>
    %get3A_2 = arith.constant 0 : index
    %get3A_3 = arith.constant 0 : index
    %get3A_4 = arith.constant 0 : index
    %get3A_5 = vector.load %arg0[%get3A_2, %get3A_3, %get3A_4] : memref<2x10112x64xf32, #tpu.memory_space<vmem>>, vector<1x10112x64xf32>
    %get3A_6 = vector.shape_cast %get3A_5 : vector<1x10112x64xf32> to vector<10112x64xf32>
    %get3A_7 = arith.constant 1 : index
    %get3A_8 = arith.constant 0 : index
    %get3A_9 = arith.constant 0 : index
    %get3A_10 = vector.load %arg0[%get3A_7, %get3A_8, %get3A_9] : memref<2x10112x64xf32, #tpu.memory_space<vmem>>, vector<1x10112x64xf32>
    %get3A_11 = vector.shape_cast %get3A_10 : vector<1x10112x64xf32> to vector<10112x64xf32>
    %add3A = arith.addf %get3A_6, %get3A_11 : vector<10112x64xf32>
    %get3A_12 = arith.constant 0 : index
    %get3A_13 = arith.constant 0 : index
    %get3A_14 = vector.load %arg1[%get3A_12, %get3A_13] : memref<10112x64xf32, #tpu.memory_space<vmem>>, vector<10112x64xf32>
    %sub3A = arith.subf %add3A, %get3A_14 : vector<10112x64xf32>
    %mul3A = vector.broadcast %get3A_1 : vector<10112x1xf32> to vector<10112x64xf32>
    %mul3A_15 = arith.mulf %sub3A, %mul3A : vector<10112x64xf32>
    %get3A_16 = arith.constant 0 : index
    %get3A_17 = arith.constant 0 : index
    %get3A_18 = vector.load %arg3[%get3A_16, %get3A_17] : memref<1x64xf32, #tpu.memory_space<vmem>>, vector<1x64xf32>
    %add3A_19 = vector.broadcast %get3A_18 : vector<1x64xf32> to vector<10112x64xf32>
    %add3A_20 = arith.addf %mul3A_15, %add3A_19 : vector<10112x64xf32>
    %max3A = arith.constant 0.000000e+00 : f32
    %max3A_21 = vector.broadcast %max3A : f32 to vector<10112x64xf32>
    %max3A_22 = arith.maximumf %add3A_20, %max3A_21 : vector<10112x64xf32>
    %get3A_23 = arith.constant 0 : index
    %get3A_24 = arith.constant 0 : index
    %get3A_25 = vector.load %arg4[%get3A_23, %get3A_24] : memref<64x32xf32, #tpu.memory_space<vmem>>, vector<64x32xf32>
    %dot_general3A = arith.constant dense<0.000000e+00> : vector<10112x32xf32>
    %dot_general3A_26 = tpu.matmul %max3A_22, %get3A_25, %dot_general3A {dimension_numbers = #tpu.dot_dimension_numbers<[1], [0], [0], [1], [0, 0, 1, 1], [], []>, transpose_lhs_hint = false} : vector<10112x64xf32>, vector<64x32xf32>, vector<10112x32xf32> -> vector<10112x32xf32>
    %mul3A_27 = vector.broadcast %get3A_1 : vector<10112x1xf32> to vector<10112x32xf32>
    %mul3A_28 = arith.mulf %dot_general3A_26, %mul3A_27 : vector<10112x32xf32>
    %swap3A = arith.constant 0 : index
    %swap3A_29 = arith.constant 0 : index
    %swap3A_30 = vector.load %arg5[%swap3A, %swap3A_29] : memref<10112x32xf32, #tpu.memory_space<vmem>>, vector<10112x32xf32>
    tpu.vector_store %arg5[%swap3A, %swap3A_29], %mul3A_28 {strides = array<i32>} : memref<10112x32xf32, #tpu.memory_space<vmem>>, vector<10112x32xf32>,
    return
  }
}

module attributes {stable_mosaic.version = 14 : i64} {
  func.func @_f_body(%arg0: memref<2x10112x32xf32, #tpu.memory_space<vmem>>, %arg1: memref<10112x32xf32, #tpu.memory_space<vmem>>, %arg2: memref<10112x1xf32, #tpu.memory_space<vmem>>, %arg3: memref<1x32xf32, #tpu.memory_space<vmem>>, %arg4: memref<32x1xf32, #tpu.memory_space<vmem>>, %arg5: memref<1x1xf32, #tpu.memory_space<vmem>>, %arg6: memref<10000x1xf32, #tpu.memory_space<vmem>>) attributes {dimension_semantics = [], scalar_prefetch = 0 : i64, scratch_operands = 0 : i64, tpu.core_type = #tpu.core_type<tc>} {
    %get3A = arith.constant 0 : index
    %get3A_0 = arith.constant 0 : index
    %get3A_1 = vector.load %arg2[%get3A, %get3A_0] : memref<10112x1xf32, #tpu.memory_space<vmem>>, vector<10000x1xf32>
    %get3A_2 = arith.constant 0 : index
    %get3A_3 = arith.constant 0 : index
    %get3A_4 = arith.constant 0 : index
    %get3A_5 = vector.load %arg0[%get3A_2, %get3A_3, %get3A_4] : memref<2x10112x32xf32, #tpu.memory_space<vmem>>, vector<1x10000x32xf32>
    %get3A_6 = vector.shape_cast %get3A_5 : vector<1x10000x32xf32> to vector<10000x32xf32>
    %get3A_7 = arith.constant 1 : index
    %get3A_8 = arith.constant 0 : index
    %get3A_9 = arith.constant 0 : index
    %get3A_10 = vector.load %arg0[%get3A_7, %get3A_8, %get3A_9] : memref<2x10112x32xf32, #tpu.memory_space<vmem>>, vector<1x10000x32xf32>
    %get3A_11 = vector.shape_cast %get3A_10 : vector<1x10000x32xf32> to vector<10000x32xf32>
    %add3A = arith.addf %get3A_6, %get3A_11 : vector<10000x32xf32>
    %get3A_12 = arith.constant 0 : index
    %get3A_13 = arith.constant 0 : index
    %get3A_14 = vector.load %arg1[%get3A_12, %get3A_13] : memref<10112x32xf32, #tpu.memory_space<vmem>>, vector<10000x32xf32>
    %sub3A = arith.subf %add3A, %get3A_14 : vector<10000x32xf32>
    %mul3A = vector.broadcast %get3A_1 : vector<10000x1xf32> to vector<10000x32xf32>
    %mul3A_15 = arith.mulf %sub3A, %mul3A : vector<10000x32xf32>
    %get3A_16 = arith.constant 0 : index
    %get3A_17 = arith.constant 0 : index
    %get3A_18 = vector.load %arg3[%get3A_16, %get3A_17] : memref<1x32xf32, #tpu.memory_space<vmem>>, vector<1x32xf32>
    %add3A_19 = vector.broadcast %get3A_18 : vector<1x32xf32> to vector<10000x32xf32>
    %add3A_20 = arith.addf %mul3A_15, %add3A_19 : vector<10000x32xf32>
    %max3A = arith.constant 0.000000e+00 : f32
    %max3A_21 = vector.broadcast %max3A : f32 to vector<10000x32xf32>
    %max3A_22 = arith.maximumf %add3A_20, %max3A_21 : vector<10000x32xf32>
    %get3A_23 = arith.constant 0 : index
    %get3A_24 = arith.constant 0 : index
    %get3A_25 = vector.load %arg4[%get3A_23, %get3A_24] : memref<32x1xf32, #tpu.memory_space<vmem>>, vector<32x1xf32>
    %dot_general3A = arith.constant dense<0.000000e+00> : vector<10000x1xf32>
    %dot_general3A_26 = tpu.matmul %max3A_22, %get3A_25, %dot_general3A {dimension_numbers = #tpu.dot_dimension_numbers<[1], [0], [0], [1], [0, 0, 1, 1], [], []>, transpose_lhs_hint = false} : vector<10000x32xf32>, vector<32x1xf32>, vector<10000x1xf32> -> vector<10000x1xf32>
    %get3A_27 = arith.constant 0 : index
    %get3A_28 = arith.constant 0 : index
    %get3A_29 = vector.load %arg5[%get3A_27, %get3A_28] : memref<1x1xf32, #tpu.memory_space<vmem>>, vector<1x1xf32>
    %add3A_30 = vector.broadcast %get3A_29 : vector<1x1xf32> to vector<10000x1xf32>
    %add3A_31 = arith.addf %dot_general3A_26, %add3A_30 : vector<10000x1xf32>
    %swap3A = arith.constant 0 : index
    %swap3A_32 = arith.constant 0 : index
    %swap3A_33 = vector.load %arg6[%swap3A, %swap3A_32] : memref<10000x1xf32, #tpu.memory_space<vmem>>, vector<10000x1xf32>
    tpu.vector_store %arg6[%swap3A, %swap3A_32], %add3A_31 {strides = array<i32>} : memref<10000x1xf32, #tpu.memory_space<vmem>>, vector<10000x1xf32>,
    return
  }
}

</mosaic_0001>

<sc_bundles>
// kernel: kernel.12.cloned.1.call-start
scs
__scs_entry_jumppad:
0x0: {  	(pc) =	sbr.rel $0x88, $3  }
0x1: {  	(tag) =	ssettag $0x0;
	lr =	simm.s32 $0x1  }
0x2: {  	[smem:$0x3F99] =	sst lr;
	_ =	strace $0xD0000000  }
0x3: {  	_ = 	snop  }
0x4: {  	_ = 	snop  }
0x5: {  	_ = 	snop  }
0x6: {  	_ = 	snop  }
0x7: {  	_ = 	snop  }
__scs_overlays_trampoline_lowered:
0x8: {  	[smem:$0x3FA8] =	sst s0  }
0x9: {  	[smem:$0x3FA9] =	sst s1  }
0xa: {  	[smem:$0x3FAA] =	sst s2  }
0xb: {  	[smem:$0x3FAB] =	sst s3  }
0xc: {  	[smem:$0x3FAC] =	sst s4  }
0xd: {  	[smem:$0x3FAD] =	sst s5  }
0xe: {  	[smem:$0x3FAE] =	sst s6  }
0xf: {  	[smem:$0x3FAF] =	sst s7  }
0x10: {  	[smem:$0x3FB0] =	sst s8  }
0x11: {  	[smem:$0x3FB1] =	sst s9;
	s0 =	simm.s32 @!p0 $0x0  }
0x12: {  	s1 =	sld [smem:$0x3F97];
	s0 =	simm.s32 @p0 $0x1  }
0x13: {  	[smem:$0x3FB2] =	sst s0;
	s0 =	simm.s32 @!p1 $0x0  }
0x14: {  	s2 =	sld [smem:$0x3F96];
	s0 =	simm.s32 @p1 $0x1  }
0x15: {  	[smem:$0x3FB3] =	sst s0;
	s0 =	simm.s32 @!p2 $0x0  }
0x16: {  	s3 =	sld [smem:$0x3FDB];
	s0 =	simm.s32 @p2 $0x1  }
0x17: {  	s4 =	simm.s32 $0x1BF5;
	[smem:$0x3FB5] =	sst s0  }
0x18: {  	s0 =	sld [smem:$0x3F98];
	_ =	swait.ge [sflag:s4], $0x0  }
0x19: {  	s7 =	sld [smem:$0x3F99]  }
0x1a: {  	s8 =	sadd.s32 $0xFFFFE003, lr  }
0x1b: {  	s9 =	sadd.s32 $0xFFFFFEF7, lr;
	s5 =	simm.s32 $0xFFFFFFFF;
	p2 =	slt.u32 s8, $0xFFFFF086  }
0x1c: {  	p1 =	slt.u32 s9, $0xF7A;
	s5 =	simm.s32 @!p2 $0x0  }
0x1d: {  	s5 =	simm.s32 @p1 $0x1;
	p0 =	seq.s32 s7, s2  }
0x1e: {  	s7 =	smul.u32 @!p0 $0xF7A, s2;
	p2 =	seq.s32 @!p0 s5, $0x0  }
0x1f: {  	s9 =	smul.u32 $0xF7A, s1;
	s8 =	simm.s32 @!p0 $0x1BF5;
	p2 =	por !p2, p0  }
0x20: {  	[sflag:s8] =	ssyncset.s32 @!p0 $0xFFFFF086;
	s6 =	sadd.s32 @!p0 s3, s7;
	s7 =	simm.s32 @!p0 $0x108  }
0x21: {  	s3 =	sadd.s32 s3, s9;
	s6 =	sadd.s32 @!p0 $0x88, s6;
	s7 =	simm.s32 @p2 $0x1082  }
0x22: {  	[simem:s7], [sflag:s8] =	dma.local @!p0 [hbm:s6], $0xF7A  }
0x23: {  	s9 =	sor.u32 $0xD0000000, s2;
	s6 =	simm.s32 $0x108;
	_ =	swait.ge @!p0 [sflag:s8], $0x0  }
0x24: {  	s3 =	sadd.s32 $0x88, s3;
	s6 =	simm.s32 @!p1 $0x1082;
	[sflag:s4] =	ssyncset.s32 $0xFFFFF086  }
0x25: {  	[simem:s6], [sflag:s4] =	dma.local [hbm:s3], $0xF7A  }
0x26: {  	[smem:$0x3F99] =	sst s1;
	(tag) =	ssettag s2;
	_ =	strace s9  }
0x27: {  	s1 =	sld [smem:$0x3FA9]  }
0x28: {  	s2 =	sld [smem:$0x3FAA]  }
0x29: {  	s4 =	sld [smem:$0x3FAC]  }
0x2a: {  	p0 =	seq.s32 s5, $0x0;
	s5 =	sld [smem:$0x3FAD]  }
0x2b: {  	s6 =	sld [smem:$0x3FAE]  }
0x2c: {  	s7 =	sld [smem:$0x3FAF]  }
0x2d: {  	s3 =	simm.s32 $0x108;
	s8 =	sld [smem:$0x3FB0]  }
0x2e: {  	s3 =	simm.s32 @!p0 $0x1082;
	s9 =	sld [smem:$0x3FB1]  }
0x2f: {  	lr =	sadd.s32 s0, s3;
	s0 =	sld [smem:$0x3FA8]  }
0x30: {  	s3 =	sld [smem:$0x3FAB]  }
0x31: {  	[smem:$0x3FB4] =	sst s10  }
0x32: {  	s10 =	sld [smem:$0x3FB2];
	_ =	sdelay $0x3  }
0x33: {  	p0 =	seq.s32 s10, $0x1;
	s10 =	sld [smem:$0x3FB4];
	_ =	sdelay $0x3  }
0x34: {  	[smem:$0x3FB4] =	sst s10  }
0x35: {  	s10 =	sld [smem:$0x3FB3];
	_ =	sdelay $0x3  }
0x36: {  	p1 =	seq.s32 s10, $0x1;
	s10 =	sld [smem:$0x3FB4];
	_ =	sdelay $0x3  }
0x37: {  	[smem:$0x3FB4] =	sst s10  }
0x38: {  	s10 =	sld [smem:$0x3FB5]  }
0x39: {  	_ = 	snop;
	(pc) =	sbr.ind lr, $3  }
0x3a: {  	_ = 	snop  }
0x3b: {  	_ = 	snop  }
0x3c: {  	p2 =	seq.s32 s10, $0x1;
	s10 =	sld [smem:$0x3FB4]  }
0x3d: {  	_ =	shalt  }
0x3e: {  	_ =	shalt  }
0x3f: {  	_ =	shalt  }
0x40: {  	_ =	shalt  }
0x41: {  	_ =	shalt  }
0x42: {  	_ =	shalt  }
0x43: {  	_ =	shalt  }
0x44: {  	_ =	shalt  }
0x45: {  	_ =	shalt  }
0x46: {  	_ =	shalt  }
0x47: {  	_ =	shalt  }
0x48: {  	_ =	shalt  }
0x49: {  	_ =	shalt  }
0x4a: {  	_ =	shalt  }
0x4b: {  	_ =	shalt  }
0x4c: {  	_ =	shalt  }
0x4d: {  	_ =	shalt  }
0x4e: {  	_ =	shalt  }
0x4f: {  	_ =	shalt  }
0x50: {  	_ =	shalt  }
0x51: {  	_ =	shalt  }
0x52: {  	_ =	shalt  }
0x53: {  	_ =	shalt  }
0x54: {  	_ =	shalt  }
0x55: {  	_ =	shalt  }
0x56: {  	_ =	shalt  }
0x57: {  	_ =	shalt  }
0x58: {  	_ =	shalt  }
0x59: {  	_ =	shalt  }
0x5a: {  	_ =	shalt  }
0x5b: {  	_ =	shalt  }
0x5c: {  	_ =	shalt  }
0x5d: {  	_ =	shalt  }
0x5e: {  	_ =	shalt  }
0x5f: {  	_ =	shalt  }
0x60: {  	_ =	shalt  }
0x61: {  	_ =	shalt  }
0x62: {  	_ =	shalt  }
0x63: {  	_ =	shalt  }
0x64: {  	_ =	shalt  }
0x65: {  	_ =	shalt  }
0x66: {  	_ =	shalt  }
0x67: {  	_ =	shalt  }
0x68: {  	_ =	shalt  }
0x69: {  	_ =	shalt  }
0x6a: {  	_ =	shalt  }
0x6b: {  	_ =	shalt  }
0x6c: {  	_ =	shalt  }
0x6d: {  	_ =	shalt  }
0x6e: {  	_ =	shalt  }
0x6f: {  	_ =	shalt  }
0x70: {  	_ =	shalt  }
0x71: {  	_ =	shalt  }
0x72: {  	_ =	shalt  }
0x73: {  	_ =	shalt  }
0x74: {  	_ =	shalt  }
0x75: {  	_ =	shalt  }
0x76: {  	_ =	shalt  }
0x77: {  	_ =	shalt  }
0x78: {  	_ =	shalt  }
0x79: {  	_ =	shalt  }
0x7a: {  	_ =	shalt  }
0x7b: {  	_ =	shalt  }
0x7c: {  	_ =	shalt  }
0x7d: {  	_ =	shalt  }
0x7e: {  	_ =	shalt  }
0x7f: {  	_ =	shalt  }
0x80: {  	_ =	shalt  }
0x81: {  	_ =	shalt  }
0x82: {  	_ =	shalt  }
0x83: {  	_ =	shalt  }
0x84: {  	_ =	shalt  }
0x85: {  	_ =	shalt  }
0x86: {  	_ =	shalt  }
0x87: {  	_ =	shalt  }
.Lfunc_end0:
.L_simem_size_0:
called_computation.1_lowered:
.L_overlay_start_0:
0x88: {  	s2 =	sld [smem:$0x3FD9]  }
0x89: {  	s3 =	sld [smem:$0x3FFE];
	_ =	sdelay $0x1  }
0x8a: {  	s1 =	srdreg.scid  }
0x8b: {  	s0 =	sand.u32 $0x1, s1  }
0x8c: {  	s16 =	sshll.u32 s0, $0xA;
	s2 =	sadd.s32 s3, s2  }
0x8d: {  	s2 =	sadd.s32 s2, s16  }
0x8e: {  	[smem:$0x3FC0] =	sst s2  }
0x8f: {  	_ = 	snop  }
0x90: {  	(tm) =	ssettm $0x1  }
0x91: {  	s17 =	sld [smem:$0x3FFB];
	_ =	sdelay $0x3  }
0x92: {  	_ =	strace s17  }
0x93: {  	s2 =	sld [smem:$0x3FFC];
	_ =	sdelay $0x3  }
0x94: {  	_ =	strace s2  }
0x95: {  	s2 =	sld [smem:$0x3FFD];
	_ =	sdelay $0x3  }
0x96: {  	_ =	strace s2  }
0x97: {  	_ =	strace $0x8FFFFFFF  }
0x98: {  	s18 =	sld [smem:$0x3FDB];
	_ =	sdelay $0x1  }
0x99: {  	s19 =	simm.s32 $_scs_section_size  }
0x9a: {  	s4 =	simm.s32 $_size__tile_overlayer_lowered;
	s5 =	simm.s32 $_tile_overlayer_lowered  }
0x9b: {  	s22 =	simm.s32 $0x1BFF;
	s21 =	sshll.u32 s5, $0x1;
	s2 =	sadd.s32 s19, s18  }
0x9c: {  	s6 =	simm.s32 $0x0;
	s20 =	sshll.u32 s4, $0x1;
	s4 =	sadd.s32 s21, s2  }
0x9d: {  	[timem:s6], [sflag:s22] =	dma.local [hbm:s4], s20  }
0x9e: {  	_ =	swait.ge [sflag:s22], s20  }
0x9f: {  	s3 =	ssub.s32 $0x0, s20;
	[sflag:s22] =	ssyncset.done $0x0  }
0xa0: {  	[sflag:s22] =	ssyncadd.s32 s3;
	_ =	sdelay $0x1  }
0xa1: {  	s23 =	simm.s32 $0x1B8B  }
0xa2: {  	_ =	swait.ge [sflag:s23], $0x1  }
0xa3: {  	[sflag:s23] =	ssyncset.done $0x0  }
0xa4: {  	s25 =	simm.s32 $0x1B8E;
	s24 =	sld [smem:$0x3FFE];
	[sflag:s23] =	ssyncadd.s32 $0xFFFFFFFF  }
0xa5: {  	s26 =	simm.s32 $execute0_lowered;
	[smem:$0x3FD2] =	sst s25  }
0xa6: {  	s4 =	sshll.u32 s26, $0x1;
	_ =	strace $0x80000049;
	[dreg:$0x1] =	wrdreg $0xFFFFFFFF  }
0xa7: {  	s28 =	simm.s32 $_size_execute0_lowered;
	s2 =	sadd.s32 s2, s4;
	[dreg:$0x0] =	wrdreg $0x0  }
0xa8: {  	s4 =	sshll.u32 s28, $0x1;
	[dreg:$0x2] =	wrdreg s2  }
0xa9: {  	[dreg:$0x3] =	wrdreg s4  }
0xaa: {  	[dreg:$0x4] =	wrdreg $0xC0  }
0xab: {  	_ =	task [dreg:s6], $0x5FFFF  }
0xac: {  	[dreg:$0x1] =	wrdreg $0xFFFFFFFF  }
0xad: {  	[dreg:$0x0] =	wrdreg $0x60  }
0xae: {  	[dreg:$0x2] =	wrdreg s24  }
0xaf: {  	[dreg:$0x3] =	wrdreg $0xA8000  }
0xb0: {  	[dreg:$0x4] =	wrdreg $0x9  }
0xb1: {  	_ =	task.clear_ibuf [dreg:s6], $0x5FFFF;
	_ =	strace $0x90000049  }
0xb2: {  	s29 =	simm.s32 $0x9;
	_ =	strace $0x8000004B  }
0xb3: {  	_ =	swait.ge [sflag:s29], $0x1  }
0xb4: {  	[sflag:s29] =	ssyncadd.s32 $0xFFFFFFFF  }
0xb5: {  	_ =	strace $0x9000004B  }
0xb6: {  	_ =	sfence  }
0xb7: {  	s30 =	sld [smem:$0x0];
	_ =	sdelay $0x2  }
0xb8: {  	s31 =	sshll.u32 s1, $0xD;
	s1 =	sshrl.u32 s1, $0x2  }
0xb9: {  	s3 =	sand.u32 $0x4000, s31;
	s1 =	sadd.s32 s1, s30  }
0xba: {  	s0 =	sor.u32 s3, s0;
	s1 =	sshll.u32 s1, $0x11  }
0xbb: {  	s0 =	sor.u32 s1, s0  }
0xbc: {  	s0 =	sadd.s32 $0x8F2B, s0  }
0xbd: {  	[sflag:s0] =	ssyncadd.remote.s32 $0x1  }
0xbe: {  	_ =	sfence.sel $0xFFFF  }
0xbf: {  	[dreg:$0x0] =	wrdreg $0xFFFFFFFF;
	(pc) =	sbr.abs _section_cstart, $3  }
0xc0: {  	[dreg:$0x1] =	wrdreg $0xFFFFFFFF  }
0xc1: {  	_ =	task.clear_ibuf [dreg:s6], $0x2FFFF;
	_ =	strace $0x9FFFFFFF  }
0xc2: {  	(tm) =	ssettm $0x7FFFFFFF  }
0xc3: {  	_ =	shalt  }
tec
execute0_lowered:
.L_overlay_start_1:
0x0: {  	(tag) =	ssettag $0x1  }
0x1: {  	s0 =	rddreg [dreg:$0x0]  }
0x2: {  	s2 =	rddreg [dreg:$0x1]  }
0x3: {  	s1 =	srdreg.scid;
	s10 =	stileid.u32  }
0x4: {  	s3 =	simm.s32 $0x0;
	s12 =	simm.s32 $0x9;
	s13 =	simm.s32 $0x1400  }
0x5: {  	s14 =	simm.s32 $0x80;
	s15 =	simm.s32 $0x2800;
	s16 =	simm.s32 $0x4800  }
0x6: {  	s17 =	simm.s32 $0x1;
	s19 =	simm.s32 $0x6800;
	s20 =	simm.s32 $0x2  }
0x7: {  	s23 =	simm.s32 $0x8800;
	s24 =	simm.s32 $0x3;
	s26 =	simm.s32 $0x5  }
0x8: {  	s29 =	simm.s32 $0x4;
	s31 =	simm.s32 $0x6;
	s18 =	simm.s32 $0x8  }
0x9: {  	s21 =	simm.s32 $0x0;
	s1 =	sand.u32 $0x1, s1;
	s5 =	smul.u32 $0x9E00, s10  }
0xa: {  	[smem:$0x7FF] =	sst s3;
	s30 =	sshll.u32 s10, $0x6;
	s4 =	sshll.u32 s1, $0x4  }
0xb: {  	s6 =	smul.u32 $0x9E000, s1;
	_ =	strace $0x8000004A;
	s1 =	ssub.s32 $0x2, s1  }
0xc: {  	s4 =	sor.u32 s10, s4;
	s8 =	sshrl.u32 s1, $0x1;
	s11 =	sadd.s32 s5, s2  }
0xd: {  	s7 =	smul.u32 $0x280, s4;
	s6 =	sadd.s32 s5, s6;
	s4 =	sadd.s32 $0xAE00, s0  }
.Ltmp0:
0xe: {  	s1 =	ssub.s32 s1, s8;
	s5 =	sshrl.u32 s5, $0x3;
	(pc) =	sbr.rel .LBB2_1-.Ltmp0, $4  }
0xf: {  	s11 =	sshrl.u32 s11, $0x3;
	s6 =	sshrl.u32 s6, $0x3;
	s5 =	sadd.s32 s4, s5  }
0x10: {  	s10 =	smax.u32 s1, $0x1;
	s1 =	simm.s32 $0x7;
	s9 =	sadd.s32 s7, s0  }
0x11: {  	s0 =	sadd.s32 s6, s0;
	s6 =	sor.u32 $0x1C09, s30;
	s7 =	sadd.s32 $0xE00, s9  }
0x12: {  	s8 =	sadd.s32 $0x5E00, s9;
	s9 =	sadd.s32 $0x1EA00, s0;
	s0 =	simm.s32 $0x280  }
.LBB2_4:
0x13: {  	_ =	swait.ge [sflag:s29], $0x2000  }
0x14: {  	[sflag:s29] =	ssyncset.done $0x0  }
0x15: {  	[sflag:s29] =	ssyncadd.s32 $0xFFFFE000  }
0x16: {  	[spmem:s2] =	stream.indirect.scatter.add.f32 [tilespmem:s23], [sflag:$0x8], $0x40, s28, s14, $0xb8;
	[tilespmem:$0x14600] =	vst v63  }
0x17: {  	_ =	swait.ge [sflag:s26], $0x2000  }
0x18: {  	[sflag:s26] =	ssyncset.done $0x0  }
0x19: {  	[sflag:s26] =	ssyncadd.s32 $0xFFFFE000  }
0x1a: {  	_ =	swait.ge [sflag:s31], $0x2000  }
0x1b: {  	[sflag:s31] =	ssyncset.done $0x0  }
0x1c: {  	[sflag:s31] =	ssyncadd.s32 $0xFFFFE000  }
0x1d: {  	_ =	swait.ge [sflag:s1], $0x2000  }
0x1e: {  	[sflag:s1] =	ssyncset.done $0x0  }
0x1f: {  	[sflag:s1] =	ssyncadd.s32 $0xFFFFE000  }
0x20: {  	_ =	swait.ge [sflag:s18], $0x2000  }
0x21: {  	s21 =	sadd.s32 $0x1, s21;
	[sflag:s18] =	ssyncset.done $0x0  }
0x22: {  	p0 =	sne.s32 s21, s10;
	[sflag:s18] =	ssyncadd.s32 $0xFFFFE000  }
.Ltmp1:
0x23: {  	[bflag:$0x0] =	sbarrier.arrive $0xFFFF;
	(pc) =	sbr.rel @!p0 .LBB2_5-.Ltmp1, $4  }
0x24: {  	[hbm:s9], [sflag:s6] =	dma.local [spmem:s11], $0x13C0  }
0x25: {  	_ =	swait.ge [sflag:s12], $0x13C0  }
0x26: {  	[sflag:s12] =	ssyncset.done $0x0  }
0x27: {  	[sflag:s12] =	ssyncadd.s32 $0xFFFFEC40  }
.LBB2_1:
0x28: {  	[spmem:s11], [sflag:s6] =	dma.local [hbm:s5], $0x13C0  }
0x29: {  	_ =	swait.ge [sflag:s12], $0x13C0  }
0x2a: {  	[sflag:s12] =	ssyncset.done $0x0  }
0x2b: {  	[sflag:s12] =	ssyncadd.s32 $0xFFFFEC40  }
0x2c: {  	[tilespmem:s3], [sflag:$0x9] =	stream.linear.gather [hbm4b:s7+s3], $0x1400, $0x38;
	[tilespmem:$0x14600] =	vst v63  }
0x2d: {  	_ =	swait.ge [sflag:s12], $0x1400  }
0x2e: {  	[sflag:s12] =	ssyncset.done $0x0  }
0x2f: {  	[sflag:s12] =	ssyncadd.s32 $0xFFFFEC00  }
0x30: {  	[tilespmem:s13], [sflag:$0x9] =	stream.linear.gather [hbm4b:s8+s3], $0x1400, $0x38;
	[tilespmem:$0x14600] =	vst v63  }
0x31: {  	_ =	swait.ge [sflag:s12], $0x1400  }
0x32: {  	[sflag:s12] =	ssyncset.done $0x0  }
0x33: {  	[sflag:s12] =	ssyncadd.s32 $0xFFFFEC00  }
0x34: {  	[bflag:$0x0] =	sbarrier.arrive $0xFFFF  }
0x35: {  	[tilespmem:s15], [sflag:$0x1] =	stream.indirect.gather [hbm4b:s4+s14], $0x40, s3, s14, $0xb8;
	[tilespmem:$0x14600] =	vst v63  }
0x36: {  	_ = 	snop  }
0x37: {  	[tilespmem:s16], [sflag:$0x2] =	stream.indirect.gather [hbm4b:s4+s14], $0x40, s14, s14, $0xb8;
	[tilespmem:$0x14600] =	vst v63  }
0x38: {  	_ =	swait.ge [sflag:s17], $0x2000  }
0x39: {  	[sflag:s17] =	ssyncset.done $0x0  }
0x3a: {  	[sflag:s17] =	ssyncadd.s32 $0xFFFFE000  }
0x3b: {  	[spmem:s2] =	stream.indirect.scatter.add.f32 [tilespmem:s15], [sflag:$0x5], $0x40, s13, s14, $0xb8;
	[tilespmem:$0x14600] =	vst v63  }
0x3c: {  	s22 =	simm.s32 $0x100  }
0x3d: {  	[tilespmem:s19], [sflag:$0x3] =	stream.indirect.gather [hbm4b:s4+s14], $0x40, s22, s14, $0xb8;
	[tilespmem:$0x14600] =	vst v63  }
0x3e: {  	_ =	swait.ge [sflag:s20], $0x2000  }
0x3f: {  	[sflag:s20] =	ssyncset.done $0x0  }
0x40: {  	s28 =	simm.s32 $0x1480;
	[sflag:s20] =	ssyncadd.s32 $0xFFFFE000  }
0x41: {  	[spmem:s2] =	stream.indirect.scatter.add.f32 [tilespmem:s16], [sflag:$0x6], $0x40, s28, s14, $0xb8;
	[tilespmem:$0x14600] =	vst v63  }
0x42: {  	s30 =	simm.s32 $0x180  }
0x43: {  	[tilespmem:s23], [sflag:$0x4] =	stream.indirect.gather [hbm4b:s4+s14], $0x40, s30, s14, $0xb8;
	[tilespmem:$0x14600] =	vst v63  }
0x44: {  	_ =	swait.ge [sflag:s24], $0x2000  }
0x45: {  	[sflag:s24] =	ssyncset.done $0x0  }
0x46: {  	s25 =	simm.s32 $0x1500;
	[sflag:s24] =	ssyncadd.s32 $0xFFFFE000  }
0x47: {  	[spmem:s2] =	stream.indirect.scatter.add.f32 [tilespmem:s19], [sflag:$0x7], $0x40, s25, s14, $0xb8;
	[tilespmem:$0x14600] =	vst v63  }
0x48: {  	_ =	swait.ge [sflag:s26], $0x2000  }
0x49: {  	[sflag:s26] =	ssyncset.done $0x0  }
0x4a: {  	s28 =	simm.s32 $0x200;
	[sflag:s26] =	ssyncadd.s32 $0xFFFFE000  }
0x4b: {  	[tilespmem:s15], [sflag:$0x1] =	stream.indirect.gather [hbm4b:s4+s14], $0x40, s28, s14, $0xb8;
	[tilespmem:$0x14600] =	vst v63  }
0x4c: {  	_ =	swait.ge [sflag:s29], $0x2000  }
0x4d: {  	[sflag:s29] =	ssyncset.done $0x0  }
0x4e: {  	s30 =	simm.s32 $0x1580;
	[sflag:s29] =	ssyncadd.s32 $0xFFFFE000  }
0x4f: {  	[spmem:s2] =	stream.indirect.scatter.add.f32 [tilespmem:s23], [sflag:$0x8], $0x40, s30, s14, $0xb8;
	[tilespmem:$0x14600] =	vst v63  }
0x50: {  	_ =	swait.ge [sflag:s31], $0x2000  }
0x51: {  	[sflag:s31] =	ssyncset.done $0x0  }
0x52: {  	s22 =	simm.s32 $0x0;
	[sflag:s31] =	ssyncadd.s32 $0xFFFFE000  }
0x53: {  	[tilespmem:s16], [sflag:$0x2] =	stream.indirect.gather [hbm4b:s4+s14], $0x40, s0, s14, $0xb8;
	[tilespmem:$0x14600] =	vst v63  }
.LBB2_2:
0x54: {  	_ =	swait.ge [sflag:s17], $0x2000  }
0x55: {  	s25 =	sshra.s32 s22, $0x2;
	[sflag:s17] =	ssyncset.done $0x0  }
0x56: {  	s28 =	sadd.s32 $0x1600, s25;
	[sflag:s17] =	ssyncadd.s32 $0xFFFFE000  }
0x57: {  	[spmem:s2] =	stream.indirect.scatter.add.f32 [tilespmem:s15], [sflag:$0x5], $0x40, s28, s14, $0xb8;
	[tilespmem:$0x14600] =	vst v63  }
0x58: {  	_ =	swait.ge [sflag:s1], $0x2000  }
0x59: {  	[sflag:s1] =	ssyncset.done $0x0  }
0x5a: {  	s28 =	sadd.s32 $0x300, s25;
	[sflag:s1] =	ssyncadd.s32 $0xFFFFE000  }
0x5b: {  	[tilespmem:s19], [sflag:$0x3] =	stream.indirect.gather [hbm4b:s4+s14], $0x40, s28, s14, $0xb8;
	[tilespmem:$0x14600] =	vst v63  }
0x5c: {  	_ =	swait.ge [sflag:s20], $0x2000  }
0x5d: {  	[sflag:s20] =	ssyncset.done $0x0  }
0x5e: {  	s28 =	sadd.s32 $0x1680, s25;
	[sflag:s20] =	ssyncadd.s32 $0xFFFFE000  }
0x5f: {  	[spmem:s2] =	stream.indirect.scatter.add.f32 [tilespmem:s16], [sflag:$0x6], $0x40, s28, s14, $0xb8;
	[tilespmem:$0x14600] =	vst v63  }
0x60: {  	_ =	swait.ge [sflag:s18], $0x2000  }
0x61: {  	[sflag:s18] =	ssyncset.done $0x0  }
0x62: {  	p0 =	seq.s32 s22, $0x4000;
	s28 =	sadd.s32 $0x380, s25;
	[sflag:s18] =	ssyncadd.s32 $0xFFFFE000  }
0x63: {  	[tilespmem:s23], [sflag:$0x4] =	stream.indirect.gather [hbm4b:s4+s14], $0x40, s28, s14, $0xb8;
	[tilespmem:$0x14600] =	vst v63  }
.Ltmp2:
0x64: {  	_ =	swait.ge [sflag:s24], $0x2000;
	(pc) =	sbr.rel @p0 .LBB2_4-.Ltmp2, $4  }
0x65: {  	[sflag:s24] =	ssyncset.done $0x0  }
0x66: {  	s28 =	sadd.s32 $0x1700, s25;
	[sflag:s24] =	ssyncadd.s32 $0xFFFFE000  }
0x67: {  	[spmem:s2] =	stream.indirect.scatter.add.f32 [tilespmem:s19], [sflag:$0x7], $0x40, s28, s14, $0xb8;
	[tilespmem:$0x14600] =	vst v63  }
0x68: {  	s28 =	sadd.s32 $0x1780, s25  }
0x69: {  	_ =	swait.ge [sflag:s26], $0x2000  }
0x6a: {  	[sflag:s26] =	ssyncset.done $0x0  }
0x6b: {  	s30 =	sadd.s32 $0x400, s25;
	[sflag:s26] =	ssyncadd.s32 $0xFFFFE000  }
0x6c: {  	[tilespmem:s15], [sflag:$0x1] =	stream.indirect.gather [hbm4b:s4+s14], $0x40, s30, s14, $0xb8;
	[tilespmem:$0x14600] =	vst v63  }
0x6d: {  	_ =	swait.ge [sflag:s29], $0x2000  }
0x6e: {  	[sflag:s29] =	ssyncset.done $0x0  }
0x6f: {  	[sflag:s29] =	ssyncadd.s32 $0xFFFFE000  }
0x70: {  	[spmem:s2] =	stream.indirect.scatter.add.f32 [tilespmem:s23], [sflag:$0x8], $0x40, s28, s14, $0xb8;
	[tilespmem:$0x14600] =	vst v63  }
.Ltmp3:
0x71: {  	_ = 	snop;
	(pc) =	sbr.rel .LBB2_2-.Ltmp3, $4  }
0x72: {  	_ =	swait.ge [sflag:s31], $0x2000  }
0x73: {  	[sflag:s31] =	ssyncset.done $0x0  }
0x74: {  	s22 =	sadd.s32 $0x800, s22;
	s30 =	sadd.s32 $0x480, s25;
	[sflag:s31] =	ssyncadd.s32 $0xFFFFE000  }
0x75: {  	[tilespmem:s16], [sflag:$0x2] =	stream.indirect.gather [hbm4b:s4+s14], $0x40, s30, s14, $0xb8;
	[tilespmem:$0x14600] =	vst v63  }
.LBB2_5:
0x76: {  	_ =	sfence.sel $0x180000  }
0x77: {  	[bflag:$0x0] =	sbarrier.arrive $0xFFFF  }
0x78: {  	_ =	strace $0x9000004A  }
0x79: {  	s0 =	stileid.u32;
	[bflag:$0x2] =	sbarrier.arrive $0xFFFF  }
0x7a: {  	p0 =	sne.s32 s0, $0x0;
	s0 =	rddreg [dreg:$0x2]  }
0x7b: {  	s0 =	sadd.s32 @!p0 $0x100000, s0  }
0x7c: {  	[sflag:s0] =	ssyncadd.tile.s32 @!p0 $0x1;
	_ =	shalt  }
.Lfunc_end2:
_tile_overlayer_lowered:
.L_overlay_start_2:
0x7d: {  	(tag) =	ssettag $0x2  }
0x7e: {  	s0 =	rddreg [dreg:$0x0];
	s2 =	stileid.u32  }
0x7f: {  	s1 =	rddreg [dreg:$0x1];
	p0 =	sne.s32 s2, $0x0  }
0x80: {  	s3 =	rddreg [dreg:$0x2];
	[bflag:$0x3] =	sbarrier.arrive $0xFFFF;
	s2 =	simm.s32 @!p0 $0x1C09  }
0x81: {  	[timem:s3], [sflag:s2] =	dma.local @!p0 [hbm:s0], s1  }
0x82: {  	s0 =	simm.s32 @!p0 $0x9  }
0x83: {  	_ =	swait.ge @!p0 [sflag:s0], s1  }
0x84: {  	s1 =	ssub.s32 @!p0 $0x0, s1;
	[sflag:s0] =	ssyncset.done @!p0 $0x0  }
0x85: {  	[sflag:s0] =	ssyncadd.s32 @!p0 s1  }
0x86: {  	[bflag:$0x3] =	sbarrier.arrive $0xFFFF  }
0x87: {  	_ =	shalt  }

// kernel: kernel.15.cloned.1.call-start
scs
__scs_entry_jumppad:
0x0: {  	(pc) =	sbr.rel $0x88, $3  }
0x1: {  	(tag) =	ssettag $0x0;
	lr =	simm.s32 $0x1  }
0x2: {  	[smem:$0x3F99] =	sst lr;
	_ =	strace $0xD0000000  }
0x3: {  	_ = 	snop  }
0x4: {  	_ = 	snop  }
0x5: {  	_ = 	snop  }
0x6: {  	_ = 	snop  }
0x7: {  	_ = 	snop  }
__scs_overlays_trampoline_lowered:
0x8: {  	[smem:$0x3FA8] =	sst s0  }
0x9: {  	[smem:$0x3FA9] =	sst s1  }
0xa: {  	[smem:$0x3FAA] =	sst s2  }
0xb: {  	[smem:$0x3FAB] =	sst s3  }
0xc: {  	[smem:$0x3FAC] =	sst s4  }
0xd: {  	[smem:$0x3FAD] =	sst s5  }
0xe: {  	[smem:$0x3FAE] =	sst s6  }
0xf: {  	[smem:$0x3FAF] =	sst s7  }
0x10: {  	[smem:$0x3FB0] =	sst s8  }
0x11: {  	[smem:$0x3FB1] =	sst s9;
	s0 =	simm.s32 @!p0 $0x0  }
0x12: {  	s1 =	sld [smem:$0x3F97];
	s0 =	simm.s32 @p0 $0x1  }
0x13: {  	[smem:$0x3FB2] =	sst s0;
	s0 =	simm.s32 @!p1 $0x0  }
0x14: {  	s2 =	sld [smem:$0x3F96];
	s0 =	simm.s32 @p1 $0x1  }
0x15: {  	[smem:$0x3FB3] =	sst s0;
	s0 =	simm.s32 @!p2 $0x0  }
0x16: {  	s3 =	sld [smem:$0x3FDB];
	s0 =	simm.s32 @p2 $0x1  }
0x17: {  	s4 =	simm.s32 $0x1BF5;
	[smem:$0x3FB5] =	sst s0  }
0x18: {  	s0 =	sld [smem:$0x3F98];
	_ =	swait.ge [sflag:s4], $0x0  }
0x19: {  	s7 =	sld [smem:$0x3F99]  }
0x1a: {  	s8 =	sadd.s32 $0xFFFFE003, lr  }
0x1b: {  	s9 =	sadd.s32 $0xFFFFFEF7, lr;
	s5 =	simm.s32 $0xFFFFFFFF;
	p2 =	slt.u32 s8, $0xFFFFF086  }
0x1c: {  	p1 =	slt.u32 s9, $0xF7A;
	s5 =	simm.s32 @!p2 $0x0  }
0x1d: {  	s5 =	simm.s32 @p1 $0x1;
	p0 =	seq.s32 s7, s2  }
0x1e: {  	s7 =	smul.u32 @!p0 $0xF7A, s2;
	p2 =	seq.s32 @!p0 s5, $0x0  }
0x1f: {  	s9 =	smul.u32 $0xF7A, s1;
	s8 =	simm.s32 @!p0 $0x1BF5;
	p2 =	por !p2, p0  }
0x20: {  	[sflag:s8] =	ssyncset.s32 @!p0 $0xFFFFF086;
	s6 =	sadd.s32 @!p0 s3, s7;
	s7 =	simm.s32 @!p0 $0x108  }
0x21: {  	s3 =	sadd.s32 s3, s9;
	s6 =	sadd.s32 @!p0 $0x88, s6;
	s7 =	simm.s32 @p2 $0x1082  }
0x22: {  	[simem:s7], [sflag:s8] =	dma.local @!p0 [hbm:s6], $0xF7A  }
0x23: {  	s9 =	sor.u32 $0xD0000000, s2;
	s6 =	simm.s32 $0x108;
	_ =	swait.ge @!p0 [sflag:s8], $0x0  }
0x24: {  	s3 =	sadd.s32 $0x88, s3;
	s6 =	simm.s32 @!p1 $0x1082;
	[sflag:s4] =	ssyncset.s32 $0xFFFFF086  }
0x25: {  	[simem:s6], [sflag:s4] =	dma.local [hbm:s3], $0xF7A  }
0x26: {  	[smem:$0x3F99] =	sst s1;
	(tag) =	ssettag s2;
	_ =	strace s9  }
0x27: {  	s1 =	sld [smem:$0x3FA9]  }
0x28: {  	s2 =	sld [smem:$0x3FAA]  }
0x29: {  	s4 =	sld [smem:$0x3FAC]  }
0x2a: {  	p0 =	seq.s32 s5, $0x0;
	s5 =	sld [smem:$0x3FAD]  }
0x2b: {  	s6 =	sld [smem:$0x3FAE]  }
0x2c: {  	s7 =	sld [smem:$0x3FAF]  }
0x2d: {  	s3 =	simm.s32 $0x108;
	s8 =	sld [smem:$0x3FB0]  }
0x2e: {  	s3 =	simm.s32 @!p0 $0x1082;
	s9 =	sld [smem:$0x3FB1]  }
0x2f: {  	lr =	sadd.s32 s0, s3;
	s0 =	sld [smem:$0x3FA8]  }
0x30: {  	s3 =	sld [smem:$0x3FAB]  }
0x31: {  	[smem:$0x3FB4] =	sst s10  }
0x32: {  	s10 =	sld [smem:$0x3FB2];
	_ =	sdelay $0x3  }
0x33: {  	p0 =	seq.s32 s10, $0x1;
	s10 =	sld [smem:$0x3FB4];
	_ =	sdelay $0x3  }
0x34: {  	[smem:$0x3FB4] =	sst s10  }
0x35: {  	s10 =	sld [smem:$0x3FB3];
	_ =	sdelay $0x3  }
0x36: {  	p1 =	seq.s32 s10, $0x1;
	s10 =	sld [smem:$0x3FB4];
	_ =	sdelay $0x3  }
0x37: {  	[smem:$0x3FB4] =	sst s10  }
0x38: {  	s10 =	sld [smem:$0x3FB5]  }
0x39: {  	_ = 	snop;
	(pc) =	sbr.ind lr, $3  }
0x3a: {  	_ = 	snop  }
0x3b: {  	_ = 	snop  }
0x3c: {  	p2 =	seq.s32 s10, $0x1;
	s10 =	sld [smem:$0x3FB4]  }
0x3d: {  	_ =	shalt  }
0x3e: {  	_ =	shalt  }
0x3f: {  	_ =	shalt  }
0x40: {  	_ =	shalt  }
0x41: {  	_ =	shalt  }
0x42: {  	_ =	shalt  }
0x43: {  	_ =	shalt  }
0x44: {  	_ =	shalt  }
0x45: {  	_ =	shalt  }
0x46: {  	_ =	shalt  }
0x47: {  	_ =	shalt  }
0x48: {  	_ =	shalt  }
0x49: {  	_ =	shalt  }
0x4a: {  	_ =	shalt  }
0x4b: {  	_ =	shalt  }
0x4c: {  	_ =	shalt  }
0x4d: {  	_ =	shalt  }
0x4e: {  	_ =	shalt  }
0x4f: {  	_ =	shalt  }
0x50: {  	_ =	shalt  }
0x51: {  	_ =	shalt  }
0x52: {  	_ =	shalt  }
0x53: {  	_ =	shalt  }
0x54: {  	_ =	shalt  }
0x55: {  	_ =	shalt  }
0x56: {  	_ =	shalt  }
0x57: {  	_ =	shalt  }
0x58: {  	_ =	shalt  }
0x59: {  	_ =	shalt  }
0x5a: {  	_ =	shalt  }
0x5b: {  	_ =	shalt  }
0x5c: {  	_ =	shalt  }
0x5d: {  	_ =	shalt  }
0x5e: {  	_ =	shalt  }
0x5f: {  	_ =	shalt  }
0x60: {  	_ =	shalt  }
0x61: {  	_ =	shalt  }
0x62: {  	_ =	shalt  }
0x63: {  	_ =	shalt  }
0x64: {  	_ =	shalt  }
0x65: {  	_ =	shalt  }
0x66: {  	_ =	shalt  }
0x67: {  	_ =	shalt  }
0x68: {  	_ =	shalt  }
0x69: {  	_ =	shalt  }
0x6a: {  	_ =	shalt  }
0x6b: {  	_ =	shalt  }
0x6c: {  	_ =	shalt  }
0x6d: {  	_ =	shalt  }
0x6e: {  	_ =	shalt  }
0x6f: {  	_ =	shalt  }
0x70: {  	_ =	shalt  }
0x71: {  	_ =	shalt  }
0x72: {  	_ =	shalt  }
0x73: {  	_ =	shalt  }
0x74: {  	_ =	shalt  }
0x75: {  	_ =	shalt  }
0x76: {  	_ =	shalt  }
0x77: {  	_ =	shalt  }
0x78: {  	_ =	shalt  }
0x79: {  	_ =	shalt  }
0x7a: {  	_ =	shalt  }
0x7b: {  	_ =	shalt  }
0x7c: {  	_ =	shalt  }
0x7d: {  	_ =	shalt  }
0x7e: {  	_ =	shalt  }
0x7f: {  	_ =	shalt  }
0x80: {  	_ =	shalt  }
0x81: {  	_ =	shalt  }
0x82: {  	_ =	shalt  }
0x83: {  	_ =	shalt  }
0x84: {  	_ =	shalt  }
0x85: {  	_ =	shalt  }
0x86: {  	_ =	shalt  }
0x87: {  	_ =	shalt  }
.Lfunc_end0:
.L_simem_size_0:
called_computation.2_lowered:
.L_overlay_start_0:
0x88: {  	s2 =	sld [smem:$0x3FD9]  }
0x89: {  	s3 =	sld [smem:$0x3FFE];
	_ =	sdelay $0x1  }
0x8a: {  	s1 =	srdreg.scid  }
0x8b: {  	s0 =	sand.u32 $0x1, s1  }
0x8c: {  	s16 =	sshll.u32 s0, $0xA;
	s2 =	sadd.s32 s3, s2  }
0x8d: {  	s2 =	sadd.s32 s2, s16  }
0x8e: {  	[smem:$0x3FC0] =	sst s2  }
0x8f: {  	_ = 	snop  }
0x90: {  	(tm) =	ssettm $0x1  }
0x91: {  	s17 =	sld [smem:$0x3FFB];
	_ =	sdelay $0x3  }
0x92: {  	_ =	strace s17  }
0x93: {  	s2 =	sld [smem:$0x3FFC];
	_ =	sdelay $0x3  }
0x94: {  	_ =	strace s2  }
0x95: {  	s2 =	sld [smem:$0x3FFD];
	_ =	sdelay $0x3  }
0x96: {  	_ =	strace s2  }
0x97: {  	_ =	strace $0x8FFFFFFF  }
0x98: {  	s18 =	sld [smem:$0x3FDB];
	_ =	sdelay $0x1  }
0x99: {  	s19 =	simm.s32 $_scs_section_size  }
0x9a: {  	s4 =	simm.s32 $_size__tile_overlayer_lowered;
	s5 =	simm.s32 $_tile_overlayer_lowered  }
0x9b: {  	s22 =	simm.s32 $0x1BFF;
	s21 =	sshll.u32 s5, $0x1;
	s2 =	sadd.s32 s19, s18  }
0x9c: {  	s6 =	simm.s32 $0x0;
	s20 =	sshll.u32 s4, $0x1;
	s4 =	sadd.s32 s21, s2  }
0x9d: {  	[timem:s6], [sflag:s22] =	dma.local [hbm:s4], s20  }
0x9e: {  	_ =	swait.ge [sflag:s22], s20  }
0x9f: {  	s3 =	ssub.s32 $0x0, s20;
	[sflag:s22] =	ssyncset.done $0x0  }
0xa0: {  	[sflag:s22] =	ssyncadd.s32 s3;
	_ =	sdelay $0x1  }
0xa1: {  	s23 =	simm.s32 $0x1B8B  }
0xa2: {  	_ =	swait.ge [sflag:s23], $0x1  }
0xa3: {  	[sflag:s23] =	ssyncset.done $0x0  }
0xa4: {  	s25 =	simm.s32 $0x1B8E;
	s24 =	sld [smem:$0x3FFE];
	[sflag:s23] =	ssyncadd.s32 $0xFFFFFFFF  }
0xa5: {  	s26 =	simm.s32 $execute0_lowered;
	[smem:$0x3FD2] =	sst s25  }
0xa6: {  	s4 =	sshll.u32 s26, $0x1;
	_ =	strace $0x8000004C;
	[dreg:$0x1] =	wrdreg $0xFFFFFFFF  }
0xa7: {  	s28 =	simm.s32 $_size_execute0_lowered;
	s2 =	sadd.s32 s2, s4;
	[dreg:$0x0] =	wrdreg $0x0  }
0xa8: {  	s4 =	sshll.u32 s28, $0x1;
	[dreg:$0x2] =	wrdreg s2  }
0xa9: {  	[dreg:$0x3] =	wrdreg s4  }
0xaa: {  	[dreg:$0x4] =	wrdreg $0xC0  }
0xab: {  	_ =	task [dreg:s6], $0x5FFFF  }
0xac: {  	[dreg:$0x1] =	wrdreg $0xFFFFFFFF  }
0xad: {  	[dreg:$0x0] =	wrdreg $0x60  }
0xae: {  	[dreg:$0x2] =	wrdreg s24  }
0xaf: {  	[dreg:$0x3] =	wrdreg $0x68000  }
0xb0: {  	[dreg:$0x4] =	wrdreg $0x9  }
0xb1: {  	_ =	task.clear_ibuf [dreg:s6], $0x5FFFF;
	_ =	strace $0x9000004C  }
0xb2: {  	s29 =	simm.s32 $0x9;
	_ =	strace $0x8000004E  }
0xb3: {  	_ =	swait.ge [sflag:s29], $0x1  }
0xb4: {  	[sflag:s29] =	ssyncadd.s32 $0xFFFFFFFF  }
0xb5: {  	_ =	strace $0x9000004E  }
0xb6: {  	_ =	sfence  }
0xb7: {  	s30 =	sld [smem:$0x0];
	_ =	sdelay $0x2  }
0xb8: {  	s31 =	sshll.u32 s1, $0xD;
	s1 =	sshrl.u32 s1, $0x2  }
0xb9: {  	s3 =	sand.u32 $0x4000, s31;
	s1 =	sadd.s32 s1, s30  }
0xba: {  	s0 =	sor.u32 s3, s0;
	s1 =	sshll.u32 s1, $0x11  }
0xbb: {  	s0 =	sor.u32 s1, s0  }
0xbc: {  	s0 =	sadd.s32 $0x8F2B, s0  }
0xbd: {  	[sflag:s0] =	ssyncadd.remote.s32 $0x1  }
0xbe: {  	_ =	sfence.sel $0xFFFF  }
0xbf: {  	[dreg:$0x0] =	wrdreg $0xFFFFFFFF;
	(pc) =	sbr.abs _section_cstart, $3  }
0xc0: {  	[dreg:$0x1] =	wrdreg $0xFFFFFFFF  }
0xc1: {  	_ =	task.clear_ibuf [dreg:s6], $0x2FFFF;
	_ =	strace $0x9FFFFFFF  }
0xc2: {  	(tm) =	ssettm $0x7FFFFFFF  }
0xc3: {  	_ =	shalt  }
tec
execute0_lowered:
.L_overlay_start_1:
0x0: {  	(tag) =	ssettag $0x1  }
0x1: {  	s0 =	rddreg [dreg:$0x0]  }
0x2: {  	s2 =	rddreg [dreg:$0x1]  }
0x3: {  	s1 =	srdreg.scid;
	s10 =	stileid.u32  }
0x4: {  	s3 =	simm.s32 $0x0;
	s12 =	simm.s32 $0x9;
	s13 =	simm.s32 $0x1400  }
0x5: {  	s14 =	simm.s32 $0x80;
	s15 =	simm.s32 $0x2800;
	s16 =	simm.s32 $0x3800  }
0x6: {  	s17 =	simm.s32 $0x1;
	s19 =	simm.s32 $0x4800;
	s20 =	simm.s32 $0x2  }
0x7: {  	s23 =	simm.s32 $0x5800;
	s24 =	simm.s32 $0x3;
	s26 =	simm.s32 $0x5  }
0x8: {  	s29 =	simm.s32 $0x4;
	s31 =	simm.s32 $0x6;
	s18 =	simm.s32 $0x8  }
0x9: {  	s21 =	simm.s32 $0x0;
	s1 =	sand.u32 $0x1, s1;
	s5 =	smul.u32 $0x4F00, s10  }
0xa: {  	[smem:$0x7FF] =	sst s3;
	s30 =	sshll.u32 s10, $0x6;
	s4 =	sshll.u32 s1, $0x4  }
0xb: {  	s6 =	smul.u32 $0x4F000, s1;
	_ =	strace $0x8000004D;
	s1 =	ssub.s32 $0x2, s1  }
0xc: {  	s4 =	sor.u32 s10, s4;
	s8 =	sshrl.u32 s1, $0x1;
	s11 =	sadd.s32 s5, s2  }
0xd: {  	s7 =	smul.u32 $0x280, s4;
	s6 =	sadd.s32 s5, s6;
	s4 =	sadd.s32 $0xAE00, s0  }
.Ltmp0:
0xe: {  	s1 =	ssub.s32 s1, s8;
	s5 =	sshrl.u32 s5, $0x3;
	(pc) =	sbr.rel .LBB2_1-.Ltmp0, $4  }
0xf: {  	s11 =	sshrl.u32 s11, $0x3;
	s6 =	sshrl.u32 s6, $0x3;
	s5 =	sadd.s32 s4, s5  }
0x10: {  	s10 =	smax.u32 s1, $0x1;
	s1 =	simm.s32 $0x7;
	s9 =	sadd.s32 s7, s0  }
0x11: {  	s0 =	sadd.s32 s6, s0;
	s6 =	sor.u32 $0x1C09, s30;
	s7 =	sadd.s32 $0xE00, s9  }
0x12: {  	s8 =	sadd.s32 $0x5E00, s9;
	s9 =	sadd.s32 $0x14C00, s0;
	s0 =	simm.s32 $0x280  }
.LBB2_4:
0x13: {  	_ =	swait.ge [sflag:s29], $0x1000  }
0x14: {  	[sflag:s29] =	ssyncset.done $0x0  }
0x15: {  	[sflag:s29] =	ssyncadd.s32 $0xFFFFF000  }
0x16: {  	[spmem:s2] =	stream.indirect.scatter.add.f32 [tilespmem:s23], [sflag:$0x8], $0x20, s28, s14, $0xb8;
	[tilespmem:$0xB700] =	vst v63  }
0x17: {  	_ =	swait.ge [sflag:s26], $0x1000  }
0x18: {  	[sflag:s26] =	ssyncset.done $0x0  }
0x19: {  	[sflag:s26] =	ssyncadd.s32 $0xFFFFF000  }
0x1a: {  	_ =	swait.ge [sflag:s31], $0x1000  }
0x1b: {  	[sflag:s31] =	ssyncset.done $0x0  }
0x1c: {  	[sflag:s31] =	ssyncadd.s32 $0xFFFFF000  }
0x1d: {  	_ =	swait.ge [sflag:s1], $0x1000  }
0x1e: {  	[sflag:s1] =	ssyncset.done $0x0  }
0x1f: {  	[sflag:s1] =	ssyncadd.s32 $0xFFFFF000  }
0x20: {  	_ =	swait.ge [sflag:s18], $0x1000  }
0x21: {  	s21 =	sadd.s32 $0x1, s21;
	[sflag:s18] =	ssyncset.done $0x0  }
0x22: {  	p0 =	sne.s32 s21, s10;
	[sflag:s18] =	ssyncadd.s32 $0xFFFFF000  }
.Ltmp1:
0x23: {  	[bflag:$0x0] =	sbarrier.arrive $0xFFFF;
	(pc) =	sbr.rel @!p0 .LBB2_5-.Ltmp1, $4  }
0x24: {  	[hbm:s9], [sflag:s6] =	dma.local [spmem:s11], $0x9E0  }
0x25: {  	_ =	swait.ge [sflag:s12], $0x9E0  }
0x26: {  	[sflag:s12] =	ssyncset.done $0x0  }
0x27: {  	[sflag:s12] =	ssyncadd.s32 $0xFFFFF620  }
.LBB2_1:
0x28: {  	[spmem:s11], [sflag:s6] =	dma.local [hbm:s5], $0x9E0  }
0x29: {  	_ =	swait.ge [sflag:s12], $0x9E0  }
0x2a: {  	[sflag:s12] =	ssyncset.done $0x0  }
0x2b: {  	[sflag:s12] =	ssyncadd.s32 $0xFFFFF620  }
0x2c: {  	[tilespmem:s3], [sflag:$0x9] =	stream.linear.gather [hbm4b:s7+s3], $0x1400, $0x38;
	[tilespmem:$0xB700] =	vst v63  }
0x2d: {  	_ =	swait.ge [sflag:s12], $0x1400  }
0x2e: {  	[sflag:s12] =	ssyncset.done $0x0  }
0x2f: {  	[sflag:s12] =	ssyncadd.s32 $0xFFFFEC00  }
0x30: {  	[tilespmem:s13], [sflag:$0x9] =	stream.linear.gather [hbm4b:s8+s3], $0x1400, $0x38;
	[tilespmem:$0xB700] =	vst v63  }
0x31: {  	_ =	swait.ge [sflag:s12], $0x1400  }
0x32: {  	[sflag:s12] =	ssyncset.done $0x0  }
0x33: {  	[sflag:s12] =	ssyncadd.s32 $0xFFFFEC00  }
0x34: {  	[bflag:$0x0] =	sbarrier.arrive $0xFFFF  }
0x35: {  	[tilespmem:s15], [sflag:$0x1] =	stream.indirect.gather [hbm4b:s4+s14], $0x20, s3, s14, $0xb8;
	[tilespmem:$0xB700] =	vst v63  }
0x36: {  	_ = 	snop  }
0x37: {  	[tilespmem:s16], [sflag:$0x2] =	stream.indirect.gather [hbm4b:s4+s14], $0x20, s14, s14, $0xb8;
	[tilespmem:$0xB700] =	vst v63  }
0x38: {  	_ =	swait.ge [sflag:s17], $0x1000  }
0x39: {  	[sflag:s17] =	ssyncset.done $0x0  }
0x3a: {  	[sflag:s17] =	ssyncadd.s32 $0xFFFFF000  }
0x3b: {  	[spmem:s2] =	stream.indirect.scatter.add.f32 [tilespmem:s15], [sflag:$0x5], $0x20, s13, s14, $0xb8;
	[tilespmem:$0xB700] =	vst v63  }
0x3c: {  	s22 =	simm.s32 $0x100  }
0x3d: {  	[tilespmem:s19], [sflag:$0x3] =	stream.indirect.gather [hbm4b:s4+s14], $0x20, s22, s14, $0xb8;
	[tilespmem:$0xB700] =	vst v63  }
0x3e: {  	_ =	swait.ge [sflag:s20], $0x1000  }
0x3f: {  	[sflag:s20] =	ssyncset.done $0x0  }
0x40: {  	s28 =	simm.s32 $0x1480;
	[sflag:s20] =	ssyncadd.s32 $0xFFFFF000  }
0x41: {  	[spmem:s2] =	stream.indirect.scatter.add.f32 [tilespmem:s16], [sflag:$0x6], $0x20, s28, s14, $0xb8;
	[tilespmem:$0xB700] =	vst v63  }
0x42: {  	s30 =	simm.s32 $0x180  }
0x43: {  	[tilespmem:s23], [sflag:$0x4] =	stream.indirect.gather [hbm4b:s4+s14], $0x20, s30, s14, $0xb8;
	[tilespmem:$0xB700] =	vst v63  }
0x44: {  	_ =	swait.ge [sflag:s24], $0x1000  }
0x45: {  	[sflag:s24] =	ssyncset.done $0x0  }
0x46: {  	s25 =	simm.s32 $0x1500;
	[sflag:s24] =	ssyncadd.s32 $0xFFFFF000  }
0x47: {  	[spmem:s2] =	stream.indirect.scatter.add.f32 [tilespmem:s19], [sflag:$0x7], $0x20, s25, s14, $0xb8;
	[tilespmem:$0xB700] =	vst v63  }
0x48: {  	_ =	swait.ge [sflag:s26], $0x1000  }
0x49: {  	[sflag:s26] =	ssyncset.done $0x0  }
0x4a: {  	s28 =	simm.s32 $0x200;
	[sflag:s26] =	ssyncadd.s32 $0xFFFFF000  }
0x4b: {  	[tilespmem:s15], [sflag:$0x1] =	stream.indirect.gather [hbm4b:s4+s14], $0x20, s28, s14, $0xb8;
	[tilespmem:$0xB700] =	vst v63  }
0x4c: {  	_ =	swait.ge [sflag:s29], $0x1000  }
0x4d: {  	[sflag:s29] =	ssyncset.done $0x0  }
0x4e: {  	s30 =	simm.s32 $0x1580;
	[sflag:s29] =	ssyncadd.s32 $0xFFFFF000  }
0x4f: {  	[spmem:s2] =	stream.indirect.scatter.add.f32 [tilespmem:s23], [sflag:$0x8], $0x20, s30, s14, $0xb8;
	[tilespmem:$0xB700] =	vst v63  }
0x50: {  	_ =	swait.ge [sflag:s31], $0x1000  }
0x51: {  	[sflag:s31] =	ssyncset.done $0x0  }
0x52: {  	s22 =	simm.s32 $0x0;
	[sflag:s31] =	ssyncadd.s32 $0xFFFFF000  }
0x53: {  	[tilespmem:s16], [sflag:$0x2] =	stream.indirect.gather [hbm4b:s4+s14], $0x20, s0, s14, $0xb8;
	[tilespmem:$0xB700] =	vst v63  }
.LBB2_2:
0x54: {  	_ =	swait.ge [sflag:s17], $0x1000  }
0x55: {  	s25 =	sshra.s32 s22, $0x2;
	[sflag:s17] =	ssyncset.done $0x0  }
0x56: {  	s28 =	sadd.s32 $0x1600, s25;
	[sflag:s17] =	ssyncadd.s32 $0xFFFFF000  }
0x57: {  	[spmem:s2] =	stream.indirect.scatter.add.f32 [tilespmem:s15], [sflag:$0x5], $0x20, s28, s14, $0xb8;
	[tilespmem:$0xB700] =	vst v63  }
0x58: {  	_ =	swait.ge [sflag:s1], $0x1000  }
0x59: {  	[sflag:s1] =	ssyncset.done $0x0  }
0x5a: {  	s28 =	sadd.s32 $0x300, s25;
	[sflag:s1] =	ssyncadd.s32 $0xFFFFF000  }
0x5b: {  	[tilespmem:s19], [sflag:$0x3] =	stream.indirect.gather [hbm4b:s4+s14], $0x20, s28, s14, $0xb8;
	[tilespmem:$0xB700] =	vst v63  }
0x5c: {  	_ =	swait.ge [sflag:s20], $0x1000  }
0x5d: {  	[sflag:s20] =	ssyncset.done $0x0  }
0x5e: {  	s28 =	sadd.s32 $0x1680, s25;
	[sflag:s20] =	ssyncadd.s32 $0xFFFFF000  }
0x5f: {  	[spmem:s2] =	stream.indirect.scatter.add.f32 [tilespmem:s16], [sflag:$0x6], $0x20, s28, s14, $0xb8;
	[tilespmem:$0xB700] =	vst v63  }
0x60: {  	_ =	swait.ge [sflag:s18], $0x1000  }
0x61: {  	[sflag:s18] =	ssyncset.done $0x0  }
0x62: {  	p0 =	seq.s32 s22, $0x4000;
	s28 =	sadd.s32 $0x380, s25;
	[sflag:s18] =	ssyncadd.s32 $0xFFFFF000  }
0x63: {  	[tilespmem:s23], [sflag:$0x4] =	stream.indirect.gather [hbm4b:s4+s14], $0x20, s28, s14, $0xb8;
	[tilespmem:$0xB700] =	vst v63  }
.Ltmp2:
0x64: {  	_ =	swait.ge [sflag:s24], $0x1000;
	(pc) =	sbr.rel @p0 .LBB2_4-.Ltmp2, $4  }
0x65: {  	[sflag:s24] =	ssyncset.done $0x0  }
0x66: {  	s28 =	sadd.s32 $0x1700, s25;
	[sflag:s24] =	ssyncadd.s32 $0xFFFFF000  }
0x67: {  	[spmem:s2] =	stream.indirect.scatter.add.f32 [tilespmem:s19], [sflag:$0x7], $0x20, s28, s14, $0xb8;
	[tilespmem:$0xB700] =	vst v63  }
0x68: {  	s28 =	sadd.s32 $0x1780, s25  }
0x69: {  	_ =	swait.ge [sflag:s26], $0x1000  }
0x6a: {  	[sflag:s26] =	ssyncset.done $0x0  }
0x6b: {  	s30 =	sadd.s32 $0x400, s25;
	[sflag:s26] =	ssyncadd.s32 $0xFFFFF000  }
0x6c: {  	[tilespmem:s15], [sflag:$0x1] =	stream.indirect.gather [hbm4b:s4+s14], $0x20, s30, s14, $0xb8;
	[tilespmem:$0xB700] =	vst v63  }
0x6d: {  	_ =	swait.ge [sflag:s29], $0x1000  }
0x6e: {  	[sflag:s29] =	ssyncset.done $0x0  }
0x6f: {  	[sflag:s29] =	ssyncadd.s32 $0xFFFFF000  }
0x70: {  	[spmem:s2] =	stream.indirect.scatter.add.f32 [tilespmem:s23], [sflag:$0x8], $0x20, s28, s14, $0xb8;
	[tilespmem:$0xB700] =	vst v63  }
.Ltmp3:
0x71: {  	_ = 	snop;
	(pc) =	sbr.rel .LBB2_2-.Ltmp3, $4  }
0x72: {  	_ =	swait.ge [sflag:s31], $0x1000  }
0x73: {  	[sflag:s31] =	ssyncset.done $0x0  }
0x74: {  	s22 =	sadd.s32 $0x800, s22;
	s30 =	sadd.s32 $0x480, s25;
	[sflag:s31] =	ssyncadd.s32 $0xFFFFF000  }
0x75: {  	[tilespmem:s16], [sflag:$0x2] =	stream.indirect.gather [hbm4b:s4+s14], $0x20, s30, s14, $0xb8;
	[tilespmem:$0xB700] =	vst v63  }
.LBB2_5:
0x76: {  	_ =	sfence.sel $0x180000  }
0x77: {  	[bflag:$0x0] =	sbarrier.arrive $0xFFFF  }
0x78: {  	_ =	strace $0x9000004D  }
0x79: {  	s0 =	stileid.u32;
	[bflag:$0x2] =	sbarrier.arrive $0xFFFF  }
0x7a: {  	p0 =	sne.s32 s0, $0x0;
	s0 =	rddreg [dreg:$0x2]  }
0x7b: {  	s0 =	sadd.s32 @!p0 $0x100000, s0  }
0x7c: {  	[sflag:s0] =	ssyncadd.tile.s32 @!p0 $0x1;
	_ =	shalt  }
.Lfunc_end2:
_tile_overlayer_lowered:
.L_overlay_start_2:
0x7d: {  	(tag) =	ssettag $0x2  }
0x7e: {  	s0 =	rddreg [dreg:$0x0];
	s2 =	stileid.u32  }
0x7f: {  	s1 =	rddreg [dreg:$0x1];
	p0 =	sne.s32 s2, $0x0  }
0x80: {  	s3 =	rddreg [dreg:$0x2];
	[bflag:$0x3] =	sbarrier.arrive $0xFFFF;
	s2 =	simm.s32 @!p0 $0x1C09  }
0x81: {  	[timem:s3], [sflag:s2] =	dma.local @!p0 [hbm:s0], s1  }
0x82: {  	s0 =	simm.s32 @!p0 $0x9  }
0x83: {  	_ =	swait.ge @!p0 [sflag:s0], s1  }
0x84: {  	s1 =	ssub.s32 @!p0 $0x0, s1;
	[sflag:s0] =	ssyncset.done @!p0 $0x0  }
0x85: {  	[sflag:s0] =	ssyncadd.s32 @!p0 s1  }
0x86: {  	[bflag:$0x3] =	sbarrier.arrive $0xFFFF  }
0x87: {  	_ =	shalt  }

// kernel: kernel.9.cloned.1.call-start
scs
__scs_entry_jumppad:
0x0: {  	(pc) =	sbr.rel $0x88, $3  }
0x1: {  	(tag) =	ssettag $0x0;
	lr =	simm.s32 $0x1  }
0x2: {  	[smem:$0x3F99] =	sst lr;
	_ =	strace $0xD0000000  }
0x3: {  	_ = 	snop  }
0x4: {  	_ = 	snop  }
0x5: {  	_ = 	snop  }
0x6: {  	_ = 	snop  }
0x7: {  	_ = 	snop  }
__scs_overlays_trampoline_lowered:
0x8: {  	[smem:$0x3FA8] =	sst s0  }
0x9: {  	[smem:$0x3FA9] =	sst s1  }
0xa: {  	[smem:$0x3FAA] =	sst s2  }
0xb: {  	[smem:$0x3FAB] =	sst s3  }
0xc: {  	[smem:$0x3FAC] =	sst s4  }
0xd: {  	[smem:$0x3FAD] =	sst s5  }
0xe: {  	[smem:$0x3FAE] =	sst s6  }
0xf: {  	[smem:$0x3FAF] =	sst s7  }
0x10: {  	[smem:$0x3FB0] =	sst s8  }
0x11: {  	[smem:$0x3FB1] =	sst s9;
	s0 =	simm.s32 @!p0 $0x0  }
0x12: {  	s1 =	sld [smem:$0x3F97];
	s0 =	simm.s32 @p0 $0x1  }
0x13: {  	[smem:$0x3FB2] =	sst s0;
	s0 =	simm.s32 @!p1 $0x0  }
0x14: {  	s2 =	sld [smem:$0x3F96];
	s0 =	simm.s32 @p1 $0x1  }
0x15: {  	[smem:$0x3FB3] =	sst s0;
	s0 =	simm.s32 @!p2 $0x0  }
0x16: {  	s3 =	sld [smem:$0x3FDB];
	s0 =	simm.s32 @p2 $0x1  }
0x17: {  	s4 =	simm.s32 $0x1BF5;
	[smem:$0x3FB5] =	sst s0  }
0x18: {  	s0 =	sld [smem:$0x3F98];
	_ =	swait.ge [sflag:s4], $0x0  }
0x19: {  	s7 =	sld [smem:$0x3F99]  }
0x1a: {  	s8 =	sadd.s32 $0xFFFFE003, lr  }
0x1b: {  	s9 =	sadd.s32 $0xFFFFFEF7, lr;
	s5 =	simm.s32 $0xFFFFFFFF;
	p2 =	slt.u32 s8, $0xFFFFF086  }
0x1c: {  	p1 =	slt.u32 s9, $0xF7A;
	s5 =	simm.s32 @!p2 $0x0  }
0x1d: {  	s5 =	simm.s32 @p1 $0x1;
	p0 =	seq.s32 s7, s2  }
0x1e: {  	s7 =	smul.u32 @!p0 $0xF7A, s2;
	p2 =	seq.s32 @!p0 s5, $0x0  }
0x1f: {  	s9 =	smul.u32 $0xF7A, s1;
	s8 =	simm.s32 @!p0 $0x1BF5;
	p2 =	por !p2, p0  }
0x20: {  	[sflag:s8] =	ssyncset.s32 @!p0 $0xFFFFF086;
	s6 =	sadd.s32 @!p0 s3, s7;
	s7 =	simm.s32 @!p0 $0x108  }
0x21: {  	s3 =	sadd.s32 s3, s9;
	s6 =	sadd.s32 @!p0 $0x88, s6;
	s7 =	simm.s32 @p2 $0x1082  }
0x22: {  	[simem:s7], [sflag:s8] =	dma.local @!p0 [hbm:s6], $0xF7A  }
0x23: {  	s9 =	sor.u32 $0xD0000000, s2;
	s6 =	simm.s32 $0x108;
	_ =	swait.ge @!p0 [sflag:s8], $0x0  }
0x24: {  	s3 =	sadd.s32 $0x88, s3;
	s6 =	simm.s32 @!p1 $0x1082;
	[sflag:s4] =	ssyncset.s32 $0xFFFFF086  }
0x25: {  	[simem:s6], [sflag:s4] =	dma.local [hbm:s3], $0xF7A  }
0x26: {  	[smem:$0x3F99] =	sst s1;
	(tag) =	ssettag s2;
	_ =	strace s9  }
0x27: {  	s1 =	sld [smem:$0x3FA9]  }
0x28: {  	s2 =	sld [smem:$0x3FAA]  }
0x29: {  	s4 =	sld [smem:$0x3FAC]  }
0x2a: {  	p0 =	seq.s32 s5, $0x0;
	s5 =	sld [smem:$0x3FAD]  }
0x2b: {  	s6 =	sld [smem:$0x3FAE]  }
0x2c: {  	s7 =	sld [smem:$0x3FAF]  }
0x2d: {  	s3 =	simm.s32 $0x108;
	s8 =	sld [smem:$0x3FB0]  }
0x2e: {  	s3 =	simm.s32 @!p0 $0x1082;
	s9 =	sld [smem:$0x3FB1]  }
0x2f: {  	lr =	sadd.s32 s0, s3;
	s0 =	sld [smem:$0x3FA8]  }
0x30: {  	s3 =	sld [smem:$0x3FAB]  }
0x31: {  	[smem:$0x3FB4] =	sst s10  }
0x32: {  	s10 =	sld [smem:$0x3FB2];
	_ =	sdelay $0x3  }
0x33: {  	p0 =	seq.s32 s10, $0x1;
	s10 =	sld [smem:$0x3FB4];
	_ =	sdelay $0x3  }
0x34: {  	[smem:$0x3FB4] =	sst s10  }
0x35: {  	s10 =	sld [smem:$0x3FB3];
	_ =	sdelay $0x3  }
0x36: {  	p1 =	seq.s32 s10, $0x1;
	s10 =	sld [smem:$0x3FB4];
	_ =	sdelay $0x3  }
0x37: {  	[smem:$0x3FB4] =	sst s10  }
0x38: {  	s10 =	sld [smem:$0x3FB5]  }
0x39: {  	_ = 	snop;
	(pc) =	sbr.ind lr, $3  }
0x3a: {  	_ = 	snop  }
0x3b: {  	_ = 	snop  }
0x3c: {  	p2 =	seq.s32 s10, $0x1;
	s10 =	sld [smem:$0x3FB4]  }
0x3d: {  	_ =	shalt  }
0x3e: {  	_ =	shalt  }
0x3f: {  	_ =	shalt  }
0x40: {  	_ =	shalt  }
0x41: {  	_ =	shalt  }
0x42: {  	_ =	shalt  }
0x43: {  	_ =	shalt  }
0x44: {  	_ =	shalt  }
0x45: {  	_ =	shalt  }
0x46: {  	_ =	shalt  }
0x47: {  	_ =	shalt  }
0x48: {  	_ =	shalt  }
0x49: {  	_ =	shalt  }
0x4a: {  	_ =	shalt  }
0x4b: {  	_ =	shalt  }
0x4c: {  	_ =	shalt  }
0x4d: {  	_ =	shalt  }
0x4e: {  	_ =	shalt  }
0x4f: {  	_ =	shalt  }
0x50: {  	_ =	shalt  }
0x51: {  	_ =	shalt  }
0x52: {  	_ =	shalt  }
0x53: {  	_ =	shalt  }
0x54: {  	_ =	shalt  }
0x55: {  	_ =	shalt  }
0x56: {  	_ =	shalt  }
0x57: {  	_ =	shalt  }
0x58: {  	_ =	shalt  }
0x59: {  	_ =	shalt  }
0x5a: {  	_ =	shalt  }
0x5b: {  	_ =	shalt  }
0x5c: {  	_ =	shalt  }
0x5d: {  	_ =	shalt  }
0x5e: {  	_ =	shalt  }
0x5f: {  	_ =	shalt  }
0x60: {  	_ =	shalt  }
0x61: {  	_ =	shalt  }
0x62: {  	_ =	shalt  }
0x63: {  	_ =	shalt  }
0x64: {  	_ =	shalt  }
0x65: {  	_ =	shalt  }
0x66: {  	_ =	shalt  }
0x67: {  	_ =	shalt  }
0x68: {  	_ =	shalt  }
0x69: {  	_ =	shalt  }
0x6a: {  	_ =	shalt  }
0x6b: {  	_ =	shalt  }
0x6c: {  	_ =	shalt  }
0x6d: {  	_ =	shalt  }
0x6e: {  	_ =	shalt  }
0x6f: {  	_ =	shalt  }
0x70: {  	_ =	shalt  }
0x71: {  	_ =	shalt  }
0x72: {  	_ =	shalt  }
0x73: {  	_ =	shalt  }
0x74: {  	_ =	shalt  }
0x75: {  	_ =	shalt  }
0x76: {  	_ =	shalt  }
0x77: {  	_ =	shalt  }
0x78: {  	_ =	shalt  }
0x79: {  	_ =	shalt  }
0x7a: {  	_ =	shalt  }
0x7b: {  	_ =	shalt  }
0x7c: {  	_ =	shalt  }
0x7d: {  	_ =	shalt  }
0x7e: {  	_ =	shalt  }
0x7f: {  	_ =	shalt  }
0x80: {  	_ =	shalt  }
0x81: {  	_ =	shalt  }
0x82: {  	_ =	shalt  }
0x83: {  	_ =	shalt  }
0x84: {  	_ =	shalt  }
0x85: {  	_ =	shalt  }
0x86: {  	_ =	shalt  }
0x87: {  	_ =	shalt  }
.Lfunc_end0:
.L_simem_size_0:
called_computation_lowered:
.L_overlay_start_0:
0x88: {  	s2 =	sld [smem:$0x3FD9]  }
0x89: {  	s3 =	sld [smem:$0x3FFE];
	_ =	sdelay $0x1  }
0x8a: {  	s1 =	srdreg.scid  }
0x8b: {  	s0 =	sand.u32 $0x1, s1  }
0x8c: {  	s16 =	sshll.u32 s0, $0xA;
	s2 =	sadd.s32 s3, s2  }
0x8d: {  	s2 =	sadd.s32 s2, s16  }
0x8e: {  	[smem:$0x3FC0] =	sst s2  }
0x8f: {  	_ = 	snop  }
0x90: {  	(tm) =	ssettm $0x1  }
0x91: {  	s17 =	sld [smem:$0x3FFB];
	_ =	sdelay $0x3  }
0x92: {  	_ =	strace s17  }
0x93: {  	s2 =	sld [smem:$0x3FFC];
	_ =	sdelay $0x3  }
0x94: {  	_ =	strace s2  }
0x95: {  	s2 =	sld [smem:$0x3FFD];
	_ =	sdelay $0x3  }
0x96: {  	_ =	strace s2  }
0x97: {  	_ =	strace $0x8FFFFFFF  }
0x98: {  	s18 =	sld [smem:$0x3FDB];
	_ =	sdelay $0x1  }
0x99: {  	s19 =	simm.s32 $_scs_section_size  }
0x9a: {  	s4 =	simm.s32 $_size__tile_overlayer_lowered;
	s5 =	simm.s32 $_tile_overlayer_lowered  }
0x9b: {  	s22 =	simm.s32 $0x1BFF;
	s21 =	sshll.u32 s5, $0x1;
	s2 =	sadd.s32 s19, s18  }
0x9c: {  	s6 =	simm.s32 $0x0;
	s20 =	sshll.u32 s4, $0x1;
	s4 =	sadd.s32 s21, s2  }
0x9d: {  	[timem:s6], [sflag:s22] =	dma.local [hbm:s4], s20  }
0x9e: {  	_ =	swait.ge [sflag:s22], s20  }
0x9f: {  	s3 =	ssub.s32 $0x0, s20;
	[sflag:s22] =	ssyncset.done $0x0  }
0xa0: {  	[sflag:s22] =	ssyncadd.s32 s3;
	_ =	sdelay $0x1  }
0xa1: {  	s23 =	simm.s32 $0x1B8B  }
0xa2: {  	_ =	swait.ge [sflag:s23], $0x1  }
0xa3: {  	[sflag:s23] =	ssyncset.done $0x0  }
0xa4: {  	s25 =	simm.s32 $0x1B8E;
	s24 =	sld [smem:$0x3FFE];
	[sflag:s23] =	ssyncadd.s32 $0xFFFFFFFF  }
0xa5: {  	s26 =	simm.s32 $execute0_lowered;
	[smem:$0x3FD2] =	sst s25  }
0xa6: {  	s4 =	sshll.u32 s26, $0x1;
	_ =	strace $0x80000046;
	[dreg:$0x1] =	wrdreg $0xFFFFFFFF  }
0xa7: {  	s28 =	simm.s32 $_size_execute0_lowered;
	s2 =	sadd.s32 s2, s4;
	[dreg:$0x0] =	wrdreg $0x0  }
0xa8: {  	s4 =	sshll.u32 s28, $0x1;
	[dreg:$0x2] =	wrdreg s2  }
0xa9: {  	[dreg:$0x3] =	wrdreg s4  }
0xaa: {  	[dreg:$0x4] =	wrdreg $0xC0  }
0xab: {  	_ =	task [dreg:s6], $0x5FFFF  }
0xac: {  	[dreg:$0x1] =	wrdreg $0xFFFFFFFF  }
0xad: {  	[dreg:$0x0] =	wrdreg $0x60  }
0xae: {  	[dreg:$0x2] =	wrdreg s24  }
0xaf: {  	[dreg:$0x3] =	wrdreg $0x43800  }
0xb0: {  	[dreg:$0x4] =	wrdreg $0x9  }
0xb1: {  	_ =	task.clear_ibuf [dreg:s6], $0x5FFFF;
	_ =	strace $0x90000046  }
0xb2: {  	s29 =	simm.s32 $0x9;
	_ =	strace $0x80000048  }
0xb3: {  	_ =	swait.ge [sflag:s29], $0x1  }
0xb4: {  	[sflag:s29] =	ssyncadd.s32 $0xFFFFFFFF  }
0xb5: {  	_ =	strace $0x90000048  }
0xb6: {  	_ =	sfence  }
0xb7: {  	s30 =	sld [smem:$0x0];
	_ =	sdelay $0x2  }
0xb8: {  	s31 =	sshll.u32 s1, $0xD;
	s1 =	sshrl.u32 s1, $0x2  }
0xb9: {  	s3 =	sand.u32 $0x4000, s31;
	s1 =	sadd.s32 s1, s30  }
0xba: {  	s0 =	sor.u32 s3, s0;
	s1 =	sshll.u32 s1, $0x11  }
0xbb: {  	s0 =	sor.u32 s1, s0  }
0xbc: {  	s0 =	sadd.s32 $0x8F2B, s0  }
0xbd: {  	[sflag:s0] =	ssyncadd.remote.s32 $0x1  }
0xbe: {  	_ =	sfence.sel $0xFFFF  }
0xbf: {  	[dreg:$0x0] =	wrdreg $0xFFFFFFFF;
	(pc) =	sbr.abs _section_cstart, $3  }
0xc0: {  	[dreg:$0x1] =	wrdreg $0xFFFFFFFF  }
0xc1: {  	_ =	task.clear_ibuf [dreg:s6], $0x2FFFF;
	_ =	strace $0x9FFFFFFF  }
0xc2: {  	(tm) =	ssettm $0x7FFFFFFF  }
0xc3: {  	_ =	shalt  }
tec
execute0_lowered:
.L_overlay_start_1:
0x0: {  	(tag) =	ssettag $0x1  }
0x1: {  	s0 =	rddreg [dreg:$0x0]  }
0x2: {  	s2 =	rddreg [dreg:$0x1]  }
0x3: {  	s1 =	srdreg.scid;
	s7 =	stileid.u32;
	s3 =	simm.s32 $0x0  }
0x4: {  	s9 =	simm.s32 $0x2;
	s10 =	simm.s32 $0x80;
	s11 =	simm.s32 $0x1400  }
0x5: {  	s8 =	simm.s32 $0xB80;
	s12 =	simm.s32 $0xC00;
	s13 =	simm.s32 $0xC80  }
0x6: {  	s14 =	simm.s32 $0xD00;
	s15 =	simm.s32 $0xD80;
	s16 =	simm.s32 $0xE00  }
0x7: {  	s17 =	simm.s32 $0xE80;
	s18 =	simm.s32 $0xF00;
	s19 =	simm.s32 $0xF80  }
0x8: {  	s20 =	simm.s32 $0x1000;
	s21 =	simm.s32 $0x1080;
	s22 =	simm.s32 $0x1100  }
0x9: {  	s23 =	simm.s32 $0x1180;
	s24 =	simm.s32 $0x1200;
	s25 =	simm.s32 $0x1280  }
0xa: {  	s26 =	simm.s32 $0x1300;
	s28 =	simm.s32 $0x1380;
	s29 =	simm.s32 $0x1  }
0xb: {  	s30 =	simm.s32 $0x0;
	s1 =	sand.u32 $0x1, s1;
	s4 =	smul.u32 $0x2780, s7  }
0xc: {  	[smem:$0x7FF] =	sst s3;
	s5 =	sshll.u32 s1, $0x4;
	s6 =	smul.u32 $0x27800, s1  }
0xd: {  	s1 =	ssub.s32 $0x2, s1;
	_ =	strace $0x80000047;
	s5 =	sor.u32 s7, s5  }
0xe: {  	s31 =	sshrl.u32 s1, $0x1;
	s5 =	smul.u32 $0x280, s5;
	s6 =	sadd.s32 s4, s6  }
0xf: {  	s1 =	ssub.s32 s1, s31;
	s4 =	sadd.s32 s4, s2;
	s6 =	sshrl.u32 s6, $0x3  }
0x10: {  	s7 =	smax.u32 s1, $0x1;
	s5 =	sadd.s32 s5, s0;
	s0 =	sadd.s32 s6, s0  }
0x11: {  	v0 =	vimm.f32 $1.000000000e+00;
	v1 =	vimm.f32 $0.0e+00;
	s1 =	simm.s32 $0xB00;
	s5 =	sadd.s32 $0x5E00, s5;
	s6 =	sadd.s32 $0xAE00, s0  }
.LBB2_1:
0x12: {  	s0 =	simm.s32 $0x0  }
.LBB2_2:
0x13: {  	p0 =	sne.s32 s0, $0x1FC0  }
.Ltmp0:
0x14: {  	_ = 	snop;
	(pc) =	sbr.rel @p0 .LBB2_2-.Ltmp0, $3  }
0x15: {  	_ =	sdelay $0x1  }
0x16: {  	s31 =	sshra.s32 s0, $0x2  }
0x17: {  	s0 =	sadd.s32 $0x40, s0;
	[tilespmem:s31+$0x1400] =	vst v0  }
0x18: {  	s31 =	simm.s32 $0x40;
	s0 =	simm.s32 $0x0  }
.LBB2_4:
0x19: {  	p0 =	sne.s32 s31, $0x9DC0;
	[tilespmem:s0+$0x1C00] =	vst v1;
	s0 =	smov.u32 s31;
	s31 =	sadd.s32 $0x40, s31  }
.Ltmp1:
0x1a: {  	(pc) =	sbr.rel @p0 .LBB2_4-.Ltmp1, $2  }
0x1b: {  	_ =	sdelay $0x2  }
0x1c: {  	s0 =	sshra.s32 s0, $0x2  }
0x1d: {  	[tilespmem:s0+$0x1C00] =	vst v1;
	s0 =	simm.s32 $0x1C00  }
0x1e: {  	[spmem:s4] =	stream.linear.scatter [tilespmem:s0], [sflag:$0x2], $0x2780, $0x38;
	[tilespmem:$0x6B00] =	vst v63  }
0x1f: {  	_ =	swait.ge [sflag:s9], $0x2780  }
0x20: {  	[sflag:s9] =	ssyncset.done $0x0  }
0x21: {  	[sflag:s9] =	ssyncadd.s32 $0xFFFFD880  }
0x22: {  	[tilespmem:s3], [sflag:$0x2] =	stream.linear.gather [hbm4b:s5+s3], $0x1400, $0x38;
	[tilespmem:$0x6B00] =	vst v63  }
0x23: {  	_ =	swait.ge [sflag:s9], $0x1400  }
0x24: {  	[sflag:s9] =	ssyncset.done $0x0  }
0x25: {  	[sflag:s9] =	ssyncadd.s32 $0xFFFFEC00  }
0x26: {  	[bflag:$0x0] =	sbarrier.arrive $0xFFFF  }
0x27: {  	[spmem:s2] =	stream.indirect.scatter.add.f32 [tilespmem:s11], [sflag:$0x1], $0x10, s3, s10, $0xb8;
	[tilespmem:$0x6B00] =	vst v63  }
0x28: {  	_ = 	snop  }
0x29: {  	[spmem:s2] =	stream.indirect.scatter.add.f32 [tilespmem:s11], [sflag:$0x1], $0x10, s10, s10, $0xb8;
	[tilespmem:$0x6B00] =	vst v63  }
0x2a: {  	s0 =	simm.s32 $0x100  }
0x2b: {  	[spmem:s2] =	stream.indirect.scatter.add.f32 [tilespmem:s11], [sflag:$0x1], $0x10, s0, s10, $0xb8;
	[tilespmem:$0x6B00] =	vst v63  }
0x2c: {  	s0 =	simm.s32 $0x180  }
0x2d: {  	[spmem:s2] =	stream.indirect.scatter.add.f32 [tilespmem:s11], [sflag:$0x1], $0x10, s0, s10, $0xb8;
	[tilespmem:$0x6B00] =	vst v63  }
0x2e: {  	s0 =	simm.s32 $0x200  }
0x2f: {  	[spmem:s2] =	stream.indirect.scatter.add.f32 [tilespmem:s11], [sflag:$0x1], $0x10, s0, s10, $0xb8;
	[tilespmem:$0x6B00] =	vst v63  }
0x30: {  	s0 =	simm.s32 $0x280  }
0x31: {  	[spmem:s2] =	stream.indirect.scatter.add.f32 [tilespmem:s11], [sflag:$0x1], $0x10, s0, s10, $0xb8;
	[tilespmem:$0x6B00] =	vst v63  }
0x32: {  	s0 =	simm.s32 $0x300  }
0x33: {  	[spmem:s2] =	stream.indirect.scatter.add.f32 [tilespmem:s11], [sflag:$0x1], $0x10, s0, s10, $0xb8;
	[tilespmem:$0x6B00] =	vst v63  }
0x34: {  	s0 =	simm.s32 $0x380  }
0x35: {  	[spmem:s2] =	stream.indirect.scatter.add.f32 [tilespmem:s11], [sflag:$0x1], $0x10, s0, s10, $0xb8;
	[tilespmem:$0x6B00] =	vst v63  }
0x36: {  	s0 =	simm.s32 $0x400  }
0x37: {  	[spmem:s2] =	stream.indirect.scatter.add.f32 [tilespmem:s11], [sflag:$0x1], $0x10, s0, s10, $0xb8;
	[tilespmem:$0x6B00] =	vst v63  }
0x38: {  	s0 =	simm.s32 $0x480  }
0x39: {  	[spmem:s2] =	stream.indirect.scatter.add.f32 [tilespmem:s11], [sflag:$0x1], $0x10, s0, s10, $0xb8;
	[tilespmem:$0x6B00] =	vst v63  }
0x3a: {  	s0 =	simm.s32 $0x500  }
0x3b: {  	[spmem:s2] =	stream.indirect.scatter.add.f32 [tilespmem:s11], [sflag:$0x1], $0x10, s0, s10, $0xb8;
	[tilespmem:$0x6B00] =	vst v63  }
0x3c: {  	s0 =	simm.s32 $0x580  }
0x3d: {  	[spmem:s2] =	stream.indirect.scatter.add.f32 [tilespmem:s11], [sflag:$0x1], $0x10, s0, s10, $0xb8;
	[tilespmem:$0x6B00] =	vst v63  }
0x3e: {  	s0 =	simm.s32 $0x600  }
0x3f: {  	[spmem:s2] =	stream.indirect.scatter.add.f32 [tilespmem:s11], [sflag:$0x1], $0x10, s0, s10, $0xb8;
	[tilespmem:$0x6B00] =	vst v63  }
0x40: {  	s0 =	simm.s32 $0x680  }
0x41: {  	[spmem:s2] =	stream.indirect.scatter.add.f32 [tilespmem:s11], [sflag:$0x1], $0x10, s0, s10, $0xb8;
	[tilespmem:$0x6B00] =	vst v63  }
0x42: {  	s0 =	simm.s32 $0x700  }
0x43: {  	[spmem:s2] =	stream.indirect.scatter.add.f32 [tilespmem:s11], [sflag:$0x1], $0x10, s0, s10, $0xb8;
	[tilespmem:$0x6B00] =	vst v63  }
0x44: {  	s0 =	simm.s32 $0x780  }
0x45: {  	[spmem:s2] =	stream.indirect.scatter.add.f32 [tilespmem:s11], [sflag:$0x1], $0x10, s0, s10, $0xb8;
	[tilespmem:$0x6B00] =	vst v63  }
0x46: {  	s0 =	simm.s32 $0x800  }
0x47: {  	[spmem:s2] =	stream.indirect.scatter.add.f32 [tilespmem:s11], [sflag:$0x1], $0x10, s0, s10, $0xb8;
	[tilespmem:$0x6B00] =	vst v63  }
0x48: {  	s0 =	simm.s32 $0x880  }
0x49: {  	[spmem:s2] =	stream.indirect.scatter.add.f32 [tilespmem:s11], [sflag:$0x1], $0x10, s0, s10, $0xb8;
	[tilespmem:$0x6B00] =	vst v63  }
0x4a: {  	s0 =	simm.s32 $0x900  }
0x4b: {  	[spmem:s2] =	stream.indirect.scatter.add.f32 [tilespmem:s11], [sflag:$0x1], $0x10, s0, s10, $0xb8;
	[tilespmem:$0x6B00] =	vst v63  }
0x4c: {  	s0 =	simm.s32 $0x980  }
0x4d: {  	[spmem:s2] =	stream.indirect.scatter.add.f32 [tilespmem:s11], [sflag:$0x1], $0x10, s0, s10, $0xb8;
	[tilespmem:$0x6B00] =	vst v63  }
0x4e: {  	s0 =	simm.s32 $0xA00  }
0x4f: {  	[spmem:s2] =	stream.indirect.scatter.add.f32 [tilespmem:s11], [sflag:$0x1], $0x10, s0, s10, $0xb8;
	[tilespmem:$0x6B00] =	vst v63  }
0x50: {  	s0 =	simm.s32 $0xA80  }
0x51: {  	[spmem:s2] =	stream.indirect.scatter.add.f32 [tilespmem:s11], [sflag:$0x1], $0x10, s0, s10, $0xb8;
	[tilespmem:$0x6B00] =	vst v63  }
0x52: {  	_ = 	snop  }
0x53: {  	[spmem:s2] =	stream.indirect.scatter.add.f32 [tilespmem:s11], [sflag:$0x1], $0x10, s1, s10, $0xb8;
	[tilespmem:$0x6B00] =	vst v63  }
0x54: {  	_ = 	snop  }
0x55: {  	[spmem:s2] =	stream.indirect.scatter.add.f32 [tilespmem:s11], [sflag:$0x1], $0x10, s8, s10, $0xb8;
	[tilespmem:$0x6B00] =	vst v63  }
0x56: {  	_ = 	snop  }
0x57: {  	[spmem:s2] =	stream.indirect.scatter.add.f32 [tilespmem:s11], [sflag:$0x1], $0x10, s12, s10, $0xb8;
	[tilespmem:$0x6B00] =	vst v63  }
0x58: {  	_ = 	snop  }
0x59: {  	[spmem:s2] =	stream.indirect.scatter.add.f32 [tilespmem:s11], [sflag:$0x1], $0x10, s13, s10, $0xb8;
	[tilespmem:$0x6B00] =	vst v63  }
0x5a: {  	_ = 	snop  }
0x5b: {  	[spmem:s2] =	stream.indirect.scatter.add.f32 [tilespmem:s11], [sflag:$0x1], $0x10, s14, s10, $0xb8;
	[tilespmem:$0x6B00] =	vst v63  }
0x5c: {  	_ = 	snop  }
0x5d: {  	[spmem:s2] =	stream.indirect.scatter.add.f32 [tilespmem:s11], [sflag:$0x1], $0x10, s15, s10, $0xb8;
	[tilespmem:$0x6B00] =	vst v63  }
0x5e: {  	_ = 	snop  }
0x5f: {  	[spmem:s2] =	stream.indirect.scatter.add.f32 [tilespmem:s11], [sflag:$0x1], $0x10, s16, s10, $0xb8;
	[tilespmem:$0x6B00] =	vst v63  }
0x60: {  	_ = 	snop  }
0x61: {  	[spmem:s2] =	stream.indirect.scatter.add.f32 [tilespmem:s11], [sflag:$0x1], $0x10, s17, s10, $0xb8;
	[tilespmem:$0x6B00] =	vst v63  }
0x62: {  	_ = 	snop  }
0x63: {  	[spmem:s2] =	stream.indirect.scatter.add.f32 [tilespmem:s11], [sflag:$0x1], $0x10, s18, s10, $0xb8;
	[tilespmem:$0x6B00] =	vst v63  }
0x64: {  	_ = 	snop  }
0x65: {  	[spmem:s2] =	stream.indirect.scatter.add.f32 [tilespmem:s11], [sflag:$0x1], $0x10, s19, s10, $0xb8;
	[tilespmem:$0x6B00] =	vst v63  }
0x66: {  	_ = 	snop  }
0x67: {  	[spmem:s2] =	stream.indirect.scatter.add.f32 [tilespmem:s11], [sflag:$0x1], $0x10, s20, s10, $0xb8;
	[tilespmem:$0x6B00] =	vst v63  }
0x68: {  	_ = 	snop  }
0x69: {  	[spmem:s2] =	stream.indirect.scatter.add.f32 [tilespmem:s11], [sflag:$0x1], $0x10, s21, s10, $0xb8;
	[tilespmem:$0x6B00] =	vst v63  }
0x6a: {  	_ = 	snop  }
0x6b: {  	[spmem:s2] =	stream.indirect.scatter.add.f32 [tilespmem:s11], [sflag:$0x1], $0x10, s22, s10, $0xb8;
	[tilespmem:$0x6B00] =	vst v63  }
0x6c: {  	_ = 	snop  }
0x6d: {  	[spmem:s2] =	stream.indirect.scatter.add.f32 [tilespmem:s11], [sflag:$0x1], $0x10, s23, s10, $0xb8;
	[tilespmem:$0x6B00] =	vst v63  }
0x6e: {  	_ = 	snop  }
0x6f: {  	[spmem:s2] =	stream.indirect.scatter.add.f32 [tilespmem:s11], [sflag:$0x1], $0x10, s24, s10, $0xb8;
	[tilespmem:$0x6B00] =	vst v63  }
0x70: {  	_ = 	snop  }
0x71: {  	[spmem:s2] =	stream.indirect.scatter.add.f32 [tilespmem:s11], [sflag:$0x1], $0x10, s25, s10, $0xb8;
	[tilespmem:$0x6B00] =	vst v63  }
0x72: {  	_ = 	snop  }
0x73: {  	[spmem:s2] =	stream.indirect.scatter.add.f32 [tilespmem:s11], [sflag:$0x1], $0x10, s26, s10, $0xb8;
	[tilespmem:$0x6B00] =	vst v63  }
0x74: {  	_ = 	snop  }
0x75: {  	[spmem:s2] =	stream.indirect.scatter.add.f32 [tilespmem:s11], [sflag:$0x1], $0x10, s28, s10, $0xb8;
	[tilespmem:$0x6B00] =	vst v63  }
0x76: {  	_ =	swait.ge [sflag:s29], $0x800  }
0x77: {  	s31 =	simm.s32 $0x27;
	[sflag:s29] =	ssyncset.done $0x0  }
.LBB2_6:
0x78: {  	p0 =	sne.s32 s31, $0x1;
	s31 =	sadd.s32 $0xFFFFFFFF, s31;
	[sflag:s29] =	ssyncadd.s32 $0xFFFFF800  }
.Ltmp2:
0x79: {  	(pc) =	sbr.rel @p0 .LBB2_6-.Ltmp2, $3  }
0x7a: {  	_ =	sdelay $0x1  }
0x7b: {  	_ =	swait.ge [sflag:s29], $0x800  }
0x7c: {  	[sflag:s29] =	ssyncset.done $0x0  }
0x7d: {  	[sflag:s29] =	ssyncadd.s32 $0xFFFFF800;
	s0 =	stileid.u32;
	s30 =	sadd.s32 $0x1, s30  }
0x7e: {  	s31 =	sshrl.u32 s4, $0x3;
	s0 =	sshll.u32 s0, $0x6;
	p0 =	sne.s32 s30, s7  }
.Ltmp3:
0x7f: {  	[bflag:$0x0] =	sbarrier.arrive $0xFFFF;
	s0 =	sor.u32 $0x1C02, s0;
	(pc) =	sbr.rel @p0 .LBB2_1-.Ltmp3, $4  }
0x80: {  	[hbm:s6], [sflag:s0] =	dma.local [spmem:s31], $0x4F0  }
0x81: {  	_ =	swait.ge [sflag:s9], $0x4F0  }
0x82: {  	[sflag:s9] =	ssyncset.done $0x0  }
0x83: {  	[sflag:s9] =	ssyncadd.s32 $0xFFFFFB10  }
0x84: {  	_ =	sfence.sel $0x180000  }
0x85: {  	[bflag:$0x0] =	sbarrier.arrive $0xFFFF  }
0x86: {  	_ =	strace $0x90000047  }
0x87: {  	s0 =	stileid.u32;
	[bflag:$0x2] =	sbarrier.arrive $0xFFFF  }
0x88: {  	p0 =	sne.s32 s0, $0x0;
	s0 =	rddreg [dreg:$0x2]  }
0x89: {  	s0 =	sadd.s32 @!p0 $0x100000, s0  }
0x8a: {  	[sflag:s0] =	ssyncadd.tile.s32 @!p0 $0x1;
	_ =	shalt  }
.Lfunc_end2:
_tile_overlayer_lowered:
.L_overlay_start_2:
0x8b: {  	(tag) =	ssettag $0x2  }
0x8c: {  	s0 =	rddreg [dreg:$0x0];
	s2 =	stileid.u32  }
0x8d: {  	s1 =	rddreg [dreg:$0x1];
	p0 =	sne.s32 s2, $0x0  }
0x8e: {  	s3 =	rddreg [dreg:$0x2];
	[bflag:$0x3] =	sbarrier.arrive $0xFFFF;
	s2 =	simm.s32 @!p0 $0x1C02  }
0x8f: {  	[timem:s3], [sflag:s2] =	dma.local @!p0 [hbm:s0], s1  }
0x90: {  	s0 =	simm.s32 @!p0 $0x2  }
0x91: {  	_ =	swait.ge @!p0 [sflag:s0], s1  }
0x92: {  	s1 =	ssub.s32 @!p0 $0x0, s1;
	[sflag:s0] =	ssyncset.done @!p0 $0x0  }
0x93: {  	[sflag:s0] =	ssyncadd.s32 @!p0 s1  }
0x94: {  	[bflag:$0x3] =	sbarrier.arrive $0xFFFF  }
0x95: {  	_ =	shalt  }

</sc_bundles>
